<compile_context>
chip_gen: v7x
topology: tpu7x:2x2x1
jax: 0.10.2.dev20260603
libtpu: 0.0.44.dev20260713+nightly
codegen_flags: <defaults>
</compile_context>

<pallas_src>
import jax
import jax.numpy as jnp
from jax import lax
from jax.experimental import pallas as pl
from jax.experimental.pallas import tpu as pltpu
from jax.experimental.pallas import tpu_sc as plsc

N_NODES_C = 10000
N_EDGES_C = 320000
D = 128

NC = 2
NS = 16
NW = NC * NS

CH = 128
NCHUNKS = N_EDGES_C // CH
BASE = NCHUNKS // NW
EXTRA = NCHUNKS - BASE * NW
NBUF = 3
N_TURNS = (BASE - NBUF) // NBUF

ROWS_MAIN = 624
ROWS_LAST = 640


def _sc_body(feat_hbm, e_hbm, out_hbm,
             ibuf, dbuf, rows0, rows1, rows2, acc,
             gsem0, gsem1, gsem2, isem0, isem1, isem2,
             bsem0, bsem1, bsem2):
    c = lax.axis_index("c")
    s = lax.axis_index("s")
    wid = s * NC + c
    start = wid * BASE + jnp.minimum(wid, EXTRA)
    has_extra = wid < EXTRA

    zeros16 = jnp.zeros((16,), jnp.float32)

    def zrow(i, _):
        for j in range(D // 16):
            rows0[i, pl.ds(j * 16, 16)] = zeros16
        return 0

    lax.fori_loop(0, CH, zrow, 0, unroll=False)

    def zcopy(j, _):
        pltpu.sync_copy(rows0, acc.at[pl.ds(s * ROWS_MAIN + j * CH, CH)])
        return 0

    lax.fori_loop(0, ROWS_MAIN // CH, zcopy, 0, unroll=False)
    zbase = (ROWS_MAIN // CH) * CH

    @pl.when(s < NS - 1)
    def _():
        pltpu.sync_copy(rows0.at[pl.ds(0, ROWS_MAIN - zbase)],
                        acc.at[pl.ds(s * ROWS_MAIN + zbase, ROWS_MAIN - zbase)])

    @pl.when(s == NS - 1)
    def _():
        pltpu.sync_copy(rows0,
                        acc.at[pl.ds((NS - 1) * ROWS_MAIN + zbase, CH)])

    bufs = (rows0, rows1, rows2)
    gsems = (gsem0, gsem1, gsem2)
    isems = (isem0, isem1, isem2)
    bsems = (bsem0, bsem1, bsem2)

    def sref(m):
        return e_hbm.at[0, pl.ds(m * CH, CH)]

    def bref(m):
        return e_hbm.at[:, pl.ds(m * CH, CH)]

    def idxload(m, j):
        pltpu.async_copy(sref(m), ibuf.at[j], isems[j])

    def idxwait(m, j):
        pltpu.make_async_copy(sref(m), ibuf.at[j], isems[j]).wait()

    def blockload(m, j):
        pltpu.async_copy(bref(m), dbuf.at[j], bsems[j])

    def blockwait(m, j):
        pltpu.make_async_copy(bref(m), dbuf.at[j], bsems[j]).wait()

    def gather(j):
        pltpu.async_copy(feat_hbm.at[ibuf.at[j]], bufs[j], gsems[j])

    def gatherwait(j):
        pltpu.make_async_copy(feat_hbm.at[ibuf.at[j]], bufs[j], gsems[j]).wait()

    def scatter(j):
        pltpu.sync_copy(bufs[j], acc.at[dbuf.at[j, 1]], add=True)

    for j in range(NBUF):
        idxload(start + j, j)
        blockload(start + j, j)
    for j in range(NBUF):
        idxwait(start + j, j)
        gather(j)

    plsc.subcore_barrier()

    def body(g, _):
        lb = NBUF * g
        for j in range(NBUF):
            c = start + lb + j
            gatherwait(j)
            idxload(c + NBUF, j)
            blockwait(c, j)
            scatter(j)
            blockload(c + NBUF, j)
            idxwait(c + NBUF, j)
            gather(j)
        return 0

    lax.fori_loop(0, N_TURNS, body, 0, unroll=False)

    tc0 = start + BASE - NBUF

    gatherwait(0)

    @pl.when(has_extra)
    def _():
        idxload(start + BASE, 0)

    blockwait(tc0, 0)
    scatter(0)

    @pl.when(has_extra)
    def _():
        blockload(start + BASE, 0)
        idxwait(start + BASE, 0)
        gather(0)

    for j in range(1, NBUF):
        gatherwait(j)
        blockwait(tc0 + j, j)
        scatter(j)

    @pl.when(has_extra)
    def _():
        gatherwait(0)
        blockwait(start + BASE, 0)
        scatter(0)

    plsc.subcore_barrier()

    @pl.when(s < NS - 1)
    def _():
        pltpu.sync_copy(acc.at[pl.ds(s * ROWS_MAIN, ROWS_MAIN)],
                        out_hbm.at[pl.ds(c * N_NODES_C + s * ROWS_MAIN, ROWS_MAIN)])

    @pl.when(s == NS - 1)
    def _():
        pltpu.sync_copy(
            acc.at[pl.ds((NS - 1) * ROWS_MAIN, ROWS_LAST)],
            out_hbm.at[pl.ds(c * N_NODES_C + (NS - 1) * ROWS_MAIN, ROWS_LAST)])


@jax.jit
def _sc_aggregate(feature, edge_index):
    mesh = plsc.VectorSubcoreMesh(core_axis_name="c", subcore_axis_name="s")
    f = pl.kernel(
        _sc_body,
        out_type=jax.ShapeDtypeStruct((NC * N_NODES_C, D), jnp.float32),
        mesh=mesh,
        scratch_types=(
            [pltpu.VMEM((NBUF, CH), jnp.int32),
             pltpu.VMEM((NBUF, 2, CH), jnp.int32)]
            + [pltpu.VMEM((CH, D), jnp.float32)] * NBUF
            + [pltpu.VMEM_SHARED((N_NODES_C, D), jnp.float32)]
            + [pltpu.SemaphoreType.DMA] * (3 * NBUF)
        ),
    )
    return f(feature, edge_index)


def _tc_body(p0_ref, p1_ref, wt_ref, b_ref, o_ref):
    agg = p0_ref[...] + p1_ref[...]
    h = jnp.dot(agg, wt_ref[...], preferred_element_type=jnp.float32)
    o_ref[...] = jnp.maximum(h + b_ref[...], 0.0)


@jax.jit
def _tc_update(partials, Wt, b2):
    blk = 5000
    grid = N_NODES_C // blk
    return pl.pallas_call(
        _tc_body,
        grid=(grid,),
        in_specs=[
            pl.BlockSpec((blk, D), lambda i: (i, 0)),
            pl.BlockSpec((blk, D), lambda i: (i + grid, 0)),
            pl.BlockSpec((D, D), lambda i: (0, 0)),
            pl.BlockSpec((1, D), lambda i: (0, 0)),
        ],
        out_specs=pl.BlockSpec((blk, D), lambda i: (i, 0)),
        out_shape=jax.ShapeDtypeStruct((N_NODES_C, D), jnp.float32),
    )(partials, partials, Wt, b2)


def kernel(feature, edge_index, W, b):
    partials = _sc_aggregate(feature, edge_index)
    return _tc_update(partials, W.T, b.reshape(1, D))

# --- scband reference (transcript-rebuilt; emitter-appended) ---
"""Pipeline reference for scband-gcmodule-33913061769301 (READ-ONLY COPY).

The authoritative reference and input builder live on the scoring server;
editing this copy changes nothing except your own understanding.
"""

import jax, jax.numpy as jnp
import numpy as np

N_NODES = 10000
N_EDGES = 320000
D_FEAT = 128


def setup_inputs(seed: int = 0) -> dict:
    key = jax.random.key(seed)
    k1, k2, k3, k4 = jax.random.split(key, 4)
    feature = jax.random.normal(k1, (N_NODES, D_FEAT), dtype=jnp.float32)
    edge_index = jax.random.randint(k2, (2, N_EDGES), 0, N_NODES, dtype=jnp.int32)
    # Learned params of nodeModule.linear (nn.Linear(in_fea=128, out_fea=128))
    bound = 1.0 / np.sqrt(D_FEAT)
    W = jax.random.uniform(k3, (D_FEAT, D_FEAT), minval=-bound, maxval=bound, dtype=jnp.float32)
    b = jax.random.uniform(k4, (D_FEAT,), minval=-bound, maxval=bound, dtype=jnp.float32)
    return {"feature": feature, "edge_index": edge_index, "W": W, "b": b}


def reference(feature, edge_index, W, b):
    # gcn_msg = copy_src('h') ; gcn_reduce = sum -> scatter-add of src features onto dst nodes
    src = edge_index[0]
    dst = edge_index[1]
    msg = jnp.take(feature, src, axis=0)                       # gather (copy_src)
    agg = jax.ops.segment_sum(msg, dst, num_segments=N_NODES)  # sum reduce onto dst
    # nodeModule: h = activation(linear(h))
    h = agg @ W.T + b
    h = jax.nn.relu(h)
    return h

if __name__ == "__main__":
    import jax
    _d = setup_inputs()
    print(jax.jit(kernel)(*tuple(_d.values())))

</pallas_src>

<mosaic_0001>
#map = affine_map<(d0, d1) -> (0, 0)>
module attributes {stable_mosaic.version = 14 : i64} {
  func.func @_sc_body(%arg0: i32, %arg1: i32, %arg2: memref<10000x128xf32, #tpu.memory_space<hbm>>, %arg3: memref<2x320000xi32, #tpu.memory_space<hbm>>, %arg4: memref<20000x128xf32, #tpu.memory_space<hbm>>, %arg5: memref<3x128xi32, #tpu.memory_space<vmem>>, %arg6: memref<3x2x128xi32, #tpu.memory_space<vmem>>, %arg7: memref<128x128xf32, #tpu.memory_space<vmem>>, %arg8: memref<128x128xf32, #tpu.memory_space<vmem>>, %arg9: memref<128x128xf32, #tpu.memory_space<vmem>>, %arg10: memref<10000x128xf32, #tpu.memory_space<vmem_shared>>, %arg11: memref<!tpu.dma_semaphore, #tpu.memory_space<semaphore_mem>>, %arg12: memref<!tpu.dma_semaphore, #tpu.memory_space<semaphore_mem>>, %arg13: memref<!tpu.dma_semaphore, #tpu.memory_space<semaphore_mem>>, %arg14: memref<!tpu.dma_semaphore, #tpu.memory_space<semaphore_mem>>, %arg15: memref<!tpu.dma_semaphore, #tpu.memory_space<semaphore_mem>>, %arg16: memref<!tpu.dma_semaphore, #tpu.memory_space<semaphore_mem>>, %arg17: memref<!tpu.dma_semaphore, #tpu.memory_space<semaphore_mem>>, %arg18: memref<!tpu.dma_semaphore, #tpu.memory_space<semaphore_mem>>, %arg19: memref<!tpu.dma_semaphore, #tpu.memory_space<semaphore_mem>>) attributes {dimension_semantics = [#tpu.dimension_semantics<core_parallel>, #tpu.dimension_semantics<subcore_parallel>], iteration_bounds = array<i64: 2, 16>, scalar_prefetch = 0 : i64, scratch_operands = 15 : i64, tpu.core_type = #tpu.core_type<sc_vector_subcore>, window_params = [{transform_indices = #map}, {transform_indices = #map}, {transform_indices = #map}]} {
    %mul3A = arith.constant 2 : i32
    %mul3A_0 = arith.muli %arg1, %mul3A : i32
    %add3A = arith.addi %mul3A_0, %arg0 : i32
    %mul3A_1 = arith.constant 78 : i32
    %mul3A_2 = arith.muli %add3A, %mul3A_1 : i32
    %min3A = arith.constant 4 : i32
    %min3A_3 = arith.minsi %add3A, %min3A : i32
    %add3A_4 = arith.addi %mul3A_2, %min3A_3 : i32
    %lt3A = arith.constant 4 : i32
    %lt3A_5 = arith.cmpi slt, %add3A, %lt3A : i32
    %broadcast_in_dim3A = arith.constant 0.000000e+00 : f32
    %broadcast_in_dim3A_6 = vector.broadcast %broadcast_in_dim3A : f32 to vector<16xf32>
    %scan3A = arith.constant 0 : i32
    %scan3A_7 = arith.constant 0 : i32
    %scan3A_8 = arith.constant 128 : i32
    %scan3A_9 = arith.addi %scan3A_7, %scan3A_8 : i32
    %scan3A_10 = arith.constant 1 : i32
    %scan3A_11 = scf.for %scan3A_298 = %scan3A_7 to %scan3A_9 step %scan3A_10 iter_args(%scan3A_299 = %scan3A) -> (i32)  : i32 {
      %swap3A = arith.index_cast %scan3A_298 : i32 to index
      %swap3A_300 = arith.constant 0 : index
      %swap3A_301 = tpu.vector_load %arg7[%swap3A, %swap3A_300] {strides = array<i32>} : memref<128x128xf32, #tpu.memory_space<vmem>>, vector<1x16xf32>,
      %swap3A_302 = vector.shape_cast %swap3A_301 : vector<1x16xf32> to vector<16xf32>
      %swap3A_303 = vector.shape_cast %broadcast_in_dim3A_6 : vector<16xf32> to vector<1x16xf32>
      tpu.vector_store %arg7[%swap3A, %swap3A_300], %swap3A_303 {strides = array<i32>} : memref<128x128xf32, #tpu.memory_space<vmem>>, vector<1x16xf32>,
      %swap3A_304 = arith.index_cast %scan3A_298 : i32 to index
      %swap3A_305 = arith.constant 16 : index
      %swap3A_306 = tpu.vector_load %arg7[%swap3A_304, %swap3A_305] {strides = array<i32>} : memref<128x128xf32, #tpu.memory_space<vmem>>, vector<1x16xf32>,
      %swap3A_307 = vector.shape_cast %swap3A_306 : vector<1x16xf32> to vector<16xf32>
      %swap3A_308 = vector.shape_cast %broadcast_in_dim3A_6 : vector<16xf32> to vector<1x16xf32>
      tpu.vector_store %arg7[%swap3A_304, %swap3A_305], %swap3A_308 {strides = array<i32>} : memref<128x128xf32, #tpu.memory_space<vmem>>, vector<1x16xf32>,
      %swap3A_309 = arith.index_cast %scan3A_298 : i32 to index
      %swap3A_310 = arith.constant 32 : index
      %swap3A_311 = tpu.vector_load %arg7[%swap3A_309, %swap3A_310] {strides = array<i32>} : memref<128x128xf32, #tpu.memory_space<vmem>>, vector<1x16xf32>,
      %swap3A_312 = vector.shape_cast %swap3A_311 : vector<1x16xf32> to vector<16xf32>
      %swap3A_313 = vector.shape_cast %broadcast_in_dim3A_6 : vector<16xf32> to vector<1x16xf32>
      tpu.vector_store %arg7[%swap3A_309, %swap3A_310], %swap3A_313 {strides = array<i32>} : memref<128x128xf32, #tpu.memory_space<vmem>>, vector<1x16xf32>,
      %swap3A_314 = arith.index_cast %scan3A_298 : i32 to index
      %swap3A_315 = arith.constant 48 : index
      %swap3A_316 = tpu.vector_load %arg7[%swap3A_314, %swap3A_315] {strides = array<i32>} : memref<128x128xf32, #tpu.memory_space<vmem>>, vector<1x16xf32>,
      %swap3A_317 = vector.shape_cast %swap3A_316 : vector<1x16xf32> to vector<16xf32>
      %swap3A_318 = vector.shape_cast %broadcast_in_dim3A_6 : vector<16xf32> to vector<1x16xf32>
      tpu.vector_store %arg7[%swap3A_314, %swap3A_315], %swap3A_318 {strides = array<i32>} : memref<128x128xf32, #tpu.memory_space<vmem>>, vector<1x16xf32>,
      %swap3A_319 = arith.index_cast %scan3A_298 : i32 to index
      %swap3A_320 = arith.constant 64 : index
      %swap3A_321 = tpu.vector_load %arg7[%swap3A_319, %swap3A_320] {strides = array<i32>} : memref<128x128xf32, #tpu.memory_space<vmem>>, vector<1x16xf32>,
      %swap3A_322 = vector.shape_cast %swap3A_321 : vector<1x16xf32> to vector<16xf32>
      %swap3A_323 = vector.shape_cast %broadcast_in_dim3A_6 : vector<16xf32> to vector<1x16xf32>
      tpu.vector_store %arg7[%swap3A_319, %swap3A_320], %swap3A_323 {strides = array<i32>} : memref<128x128xf32, #tpu.memory_space<vmem>>, vector<1x16xf32>,
      %swap3A_324 = arith.index_cast %scan3A_298 : i32 to index
      %swap3A_325 = arith.constant 80 : index
      %swap3A_326 = tpu.vector_load %arg7[%swap3A_324, %swap3A_325] {strides = array<i32>} : memref<128x128xf32, #tpu.memory_space<vmem>>, vector<1x16xf32>,
      %swap3A_327 = vector.shape_cast %swap3A_326 : vector<1x16xf32> to vector<16xf32>
      %swap3A_328 = vector.shape_cast %broadcast_in_dim3A_6 : vector<16xf32> to vector<1x16xf32>
      tpu.vector_store %arg7[%swap3A_324, %swap3A_325], %swap3A_328 {strides = array<i32>} : memref<128x128xf32, #tpu.memory_space<vmem>>, vector<1x16xf32>,
      %swap3A_329 = arith.index_cast %scan3A_298 : i32 to index
      %swap3A_330 = arith.constant 96 : index
      %swap3A_331 = tpu.vector_load %arg7[%swap3A_329, %swap3A_330] {strides = array<i32>} : memref<128x128xf32, #tpu.memory_space<vmem>>, vector<1x16xf32>,
      %swap3A_332 = vector.shape_cast %swap3A_331 : vector<1x16xf32> to vector<16xf32>
      %swap3A_333 = vector.shape_cast %broadcast_in_dim3A_6 : vector<16xf32> to vector<1x16xf32>
      tpu.vector_store %arg7[%swap3A_329, %swap3A_330], %swap3A_333 {strides = array<i32>} : memref<128x128xf32, #tpu.memory_space<vmem>>, vector<1x16xf32>,
      %swap3A_334 = arith.index_cast %scan3A_298 : i32 to index
      %swap3A_335 = arith.constant 112 : index
      %swap3A_336 = tpu.vector_load %arg7[%swap3A_334, %swap3A_335] {strides = array<i32>} : memref<128x128xf32, #tpu.memory_space<vmem>>, vector<1x16xf32>,
      %swap3A_337 = vector.shape_cast %swap3A_336 : vector<1x16xf32> to vector<16xf32>
      %swap3A_338 = vector.shape_cast %broadcast_in_dim3A_6 : vector<16xf32> to vector<1x16xf32>
      tpu.vector_store %arg7[%swap3A_334, %swap3A_335], %swap3A_338 {strides = array<i32>} : memref<128x128xf32, #tpu.memory_space<vmem>>, vector<1x16xf32>,
      %scan3A_339 = arith.constant 0 : i32
      scf.yield %scan3A_339 : i32
    }
    %scan3A_12 = arith.constant 128 : i32
    %scan3A_13 = arith.constant 0 : i32
    %scan3A_14 = arith.constant 0 : i32
    %scan3A_15 = arith.constant 4 : i32
    %scan3A_16 = arith.addi %scan3A_14, %scan3A_15 : i32
    %scan3A_17 = arith.constant 1 : i32
    %scan3A_18 = scf.for %scan3A_298 = %scan3A_14 to %scan3A_16 step %scan3A_17 iter_args(%scan3A_299 = %scan3A_13) -> (i32)  : i32 {
      %mul3A_300 = arith.constant 624 : i32
      %mul3A_301 = arith.muli %arg1, %mul3A_300 : i32
      %mul3A_302 = arith.constant 128 : i32
      %mul3A_303 = arith.muli %scan3A_298, %mul3A_302 : i32
      %add3A_304 = arith.addi %mul3A_301, %mul3A_303 : i32
      "tpu.region"() ({
        %run_scoped3A_306 = tpu.sem_alloc : memref<!tpu.dma_semaphore, #tpu.memory_space<semaphore_mem>>
        %dma_start3A_307 = arith.constant 0 : i32
        %dma_start3A_308 = tpu.memref_slice %arg10[%add3A_304, %dma_start3A_307] : memref<10000x128xf32, #tpu.memory_space<vmem_shared>> -> memref<128x128xf32, #tpu.memory_space<vmem_shared>>
        %dma_start3A_309 = arith.constant 0 : i32
        %dma_start3A_310 = tpu.memref_slice %arg10[%add3A_304, %dma_start3A_309] : memref<10000x128xf32, #tpu.memory_space<vmem_shared>> -> memref<128x128xf32, #tpu.memory_space<vmem_shared>>
        tpu.enqueue_dma source(%arg7 : memref<128x128xf32, #tpu.memory_space<vmem>>) target(%dma_start3A_310 : memref<128x128xf32, #tpu.memory_space<vmem_shared>>) target_semaphore(%run_scoped3A_306 : memref<!tpu.dma_semaphore, #tpu.memory_space<semaphore_mem>>)
        %dma_wait3A_311 = arith.constant 0 : i32
        %dma_wait3A_312 = tpu.memref_slice %arg10[%add3A_304, %dma_wait3A_311] : memref<10000x128xf32, #tpu.memory_space<vmem_shared>> -> memref<128x128xf32, #tpu.memory_space<vmem_shared>>
        %dma_wait3A_313 = arith.constant 0 : i32
        %dma_wait3A_314 = tpu.memref_slice %arg10[%add3A_304, %dma_wait3A_313] : memref<10000x128xf32, #tpu.memory_space<vmem_shared>> -> memref<128x128xf32, #tpu.memory_space<vmem_shared>>
        tpu.wait_dma2 semaphore(%run_scoped3A_306 : memref<!tpu.dma_semaphore, #tpu.memory_space<semaphore_mem>>) src(%arg7 : memref<128x128xf32, #tpu.memory_space<vmem>>) dst(%dma_wait3A_314 : memref<128x128xf32, #tpu.memory_space<vmem_shared>>)
        tpu.yield
      }) : () -> ()
      %scan3A_305 = arith.constant 0 : i32
      scf.yield %scan3A_305 : i32
    }
    %scan3A_19 = arith.constant 4 : i32
    %lt3A_20 = arith.constant 15 : i32
    %lt3A_21 = arith.cmpi slt, %arg1, %lt3A_20 : i32
    %convert_element_type3A = arith.extui %lt3A_21 : i1 to i32
    %cond3A = arith.constant 0 : i32
    %cond3A_22 = arith.cmpi ne, %convert_element_type3A, %cond3A : i32
    scf.if %cond3A_22 {
      %mul3A_298 = arith.constant 624 : i32
      %mul3A_299 = arith.muli %arg1, %mul3A_298 : i32
      %add3A_300 = arith.constant 512 : i32
      %add3A_301 = arith.addi %mul3A_299, %add3A_300 : i32
      "tpu.region"() ({
        %run_scoped3A_302 = tpu.sem_alloc : memref<!tpu.dma_semaphore, #tpu.memory_space<semaphore_mem>>
        %dma_start3A_303 = arith.constant 0 : i32
        %dma_start3A_304 = arith.constant 0 : i32
        %dma_start3A_305 = tpu.memref_slice %arg7[%dma_start3A_303, %dma_start3A_304] : memref<128x128xf32, #tpu.memory_space<vmem>> -> memref<112x128xf32, #tpu.memory_space<vmem>>
        %dma_start3A_306 = arith.constant 0 : i32
        %dma_start3A_307 = tpu.memref_slice %arg10[%add3A_301, %dma_start3A_306] : memref<10000x128xf32, #tpu.memory_space<vmem_shared>> -> memref<112x128xf32, #tpu.memory_space<vmem_shared>>
        %dma_start3A_308 = arith.constant 0 : i32
        %dma_start3A_309 = tpu.memref_slice %arg10[%add3A_301, %dma_start3A_308] : memref<10000x128xf32, #tpu.memory_space<vmem_shared>> -> memref<112x128xf32, #tpu.memory_space<vmem_shared>>
        %dma_start3A_310 = arith.constant 0 : i32
        %dma_start3A_311 = arith.constant 0 : i32
        %dma_start3A_312 = tpu.memref_slice %arg7[%dma_start3A_310, %dma_start3A_311] : memref<128x128xf32, #tpu.memory_space<vmem>> -> memref<112x128xf32, #tpu.memory_space<vmem>>
        tpu.enqueue_dma source(%dma_start3A_312 : memref<112x128xf32, #tpu.memory_space<vmem>>) target(%dma_start3A_309 : memref<112x128xf32, #tpu.memory_space<vmem_shared>>) target_semaphore(%run_scoped3A_302 : memref<!tpu.dma_semaphore, #tpu.memory_space<semaphore_mem>>)
        %dma_wait3A_313 = arith.constant 0 : i32
        %dma_wait3A_314 = arith.constant 0 : i32
        %dma_wait3A_315 = tpu.memref_slice %arg7[%dma_wait3A_313, %dma_wait3A_314] : memref<128x128xf32, #tpu.memory_space<vmem>> -> memref<112x128xf32, #tpu.memory_space<vmem>>
        %dma_wait3A_316 = arith.constant 0 : i32
        %dma_wait3A_317 = tpu.memref_slice %arg10[%add3A_301, %dma_wait3A_316] : memref<10000x128xf32, #tpu.memory_space<vmem_shared>> -> memref<112x128xf32, #tpu.memory_space<vmem_shared>>
        %dma_wait3A_318 = arith.constant 0 : i32
        %dma_wait3A_319 = tpu.memref_slice %arg10[%add3A_301, %dma_wait3A_318] : memref<10000x128xf32, #tpu.memory_space<vmem_shared>> -> memref<112x128xf32, #tpu.memory_space<vmem_shared>>
        %dma_wait3A_320 = arith.constant 0 : i32
        %dma_wait3A_321 = arith.constant 0 : i32
        %dma_wait3A_322 = tpu.memref_slice %arg7[%dma_wait3A_320, %dma_wait3A_321] : memref<128x128xf32, #tpu.memory_space<vmem>> -> memref<112x128xf32, #tpu.memory_space<vmem>>
        tpu.wait_dma2 semaphore(%run_scoped3A_302 : memref<!tpu.dma_semaphore, #tpu.memory_space<semaphore_mem>>) src(%dma_wait3A_322 : memref<112x128xf32, #tpu.memory_space<vmem>>) dst(%dma_wait3A_319 : memref<112x128xf32, #tpu.memory_space<vmem_shared>>)
        tpu.yield
      }) : () -> ()
    } else {
    }
    %eq3A = arith.constant 15 : i32
    %eq3A_23 = arith.cmpi eq, %arg1, %eq3A : i32
    %convert_element_type3A_24 = arith.extui %eq3A_23 : i1 to i32
    %cond3A_25 = arith.constant 0 : i32
    %cond3A_26 = arith.cmpi ne, %convert_element_type3A_24, %cond3A_25 : i32
    scf.if %cond3A_26 {
      "tpu.region"() ({
        %run_scoped3A_298 = tpu.sem_alloc : memref<!tpu.dma_semaphore, #tpu.memory_space<semaphore_mem>>
        %dma_start3A_299 = arith.constant 9872 : i32
        %dma_start3A_300 = arith.constant 0 : i32
        %dma_start3A_301 = tpu.memref_slice %arg10[%dma_start3A_299, %dma_start3A_300] : memref<10000x128xf32, #tpu.memory_space<vmem_shared>> -> memref<128x128xf32, #tpu.memory_space<vmem_shared>>
        %dma_start3A_302 = arith.constant 9872 : i32
        %dma_start3A_303 = arith.constant 0 : i32
        %dma_start3A_304 = tpu.memref_slice %arg10[%dma_start3A_302, %dma_start3A_303] : memref<10000x128xf32, #tpu.memory_space<vmem_shared>> -> memref<128x128xf32, #tpu.memory_space<vmem_shared>>
        tpu.enqueue_dma source(%arg7 : memref<128x128xf32, #tpu.memory_space<vmem>>) target(%dma_start3A_304 : memref<128x128xf32, #tpu.memory_space<vmem_shared>>) target_semaphore(%run_scoped3A_298 : memref<!tpu.dma_semaphore, #tpu.memory_space<semaphore_mem>>)
        %dma_wait3A_305 = arith.constant 9872 : i32
        %dma_wait3A_306 = arith.constant 0 : i32
        %dma_wait3A_307 = tpu.memref_slice %arg10[%dma_wait3A_305, %dma_wait3A_306] : memref<10000x128xf32, #tpu.memory_space<vmem_shared>> -> memref<128x128xf32, #tpu.memory_space<vmem_shared>>
        %dma_wait3A_308 = arith.constant 9872 : i32
        %dma_wait3A_309 = arith.constant 0 : i32
        %dma_wait3A_310 = tpu.memref_slice %arg10[%dma_wait3A_308, %dma_wait3A_309] : memref<10000x128xf32, #tpu.memory_space<vmem_shared>> -> memref<128x128xf32, #tpu.memory_space<vmem_shared>>
        tpu.wait_dma2 semaphore(%run_scoped3A_298 : memref<!tpu.dma_semaphore, #tpu.memory_space<semaphore_mem>>) src(%arg7 : memref<128x128xf32, #tpu.memory_space<vmem>>) dst(%dma_wait3A_310 : memref<128x128xf32, #tpu.memory_space<vmem_shared>>)
        tpu.yield
      }) : () -> ()
    } else {
    }
    %add3A_27 = arith.constant 0 : i32
    %add3A_28 = arith.addi %add3A_4, %add3A_27 : i32
    %mul3A_29 = arith.constant 128 : i32
    %mul3A_30 = arith.muli %add3A_28, %mul3A_29 : i32
    %dma_start3A = arith.constant 0 : i32
    %dma_start3A_31 = arith.constant 0 : i32
    %dma_start3A_32 = arith.constant 0 : i32
    %dma_start3A_33 = tpu.memref_slice %arg5[%dma_start3A_31, %dma_start3A_32] : memref<3x128xi32, #tpu.memory_space<vmem>> -> memref<1x128xi32, #tpu.memory_space<vmem>>
    %dma_start3A_34 = tpu.memref_squeeze %dma_start3A_33 : memref<1x128xi32, #tpu.memory_space<vmem>> -> memref<128xi32, #tpu.memory_space<vmem>>
    %dma_start3A_35 = tpu.memref_slice %arg3[%dma_start3A, %mul3A_30] : memref<2x320000xi32, #tpu.memory_space<hbm>> -> memref<1x128xi32, #tpu.memory_space<hbm>>
    %dma_start3A_36 = tpu.memref_squeeze %dma_start3A_35 : memref<1x128xi32, #tpu.memory_space<hbm>> -> memref<128xi32, #tpu.memory_space<hbm>>
    %dma_start3A_37 = arith.constant 0 : i32
    %dma_start3A_38 = tpu.memref_slice %arg5[%dma_start3A_31, %dma_start3A_37] : memref<3x128xi32, #tpu.memory_space<vmem>> -> memref<1x128xi32, #tpu.memory_space<vmem>>
    %dma_start3A_39 = tpu.memref_squeeze %dma_start3A_38 : memref<1x128xi32, #tpu.memory_space<vmem>> -> memref<128xi32, #tpu.memory_space<vmem>>
    %dma_start3A_40 = tpu.memref_slice %arg3[%dma_start3A, %mul3A_30] : memref<2x320000xi32, #tpu.memory_space<hbm>> -> memref<1x128xi32, #tpu.memory_space<hbm>>
    %dma_start3A_41 = tpu.memref_squeeze %dma_start3A_40 : memref<1x128xi32, #tpu.memory_space<hbm>> -> memref<128xi32, #tpu.memory_space<hbm>>
    tpu.enqueue_dma source(%dma_start3A_41 : memref<128xi32, #tpu.memory_space<hbm>>) target(%dma_start3A_39 : memref<128xi32, #tpu.memory_space<vmem>>) target_semaphore(%arg14 : memref<!tpu.dma_semaphore, #tpu.memory_space<semaphore_mem>>)
    %add3A_42 = arith.constant 0 : i32
    %add3A_43 = arith.addi %add3A_4, %add3A_42 : i32
    %mul3A_44 = arith.constant 128 : i32
    %mul3A_45 = arith.muli %add3A_43, %mul3A_44 : i32
    %dma_start3A_46 = arith.constant 0 : i32
    %dma_start3A_47 = arith.constant 0 : i32
    %dma_start3A_48 = arith.constant 0 : i32
    %dma_start3A_49 = tpu.memref_slice %arg6[%dma_start3A_46, %dma_start3A_47, %dma_start3A_48] : memref<3x2x128xi32, #tpu.memory_space<vmem>> -> memref<1x2x128xi32, #tpu.memory_space<vmem>>
    %dma_start3A_50 = tpu.memref_squeeze %dma_start3A_49 : memref<1x2x128xi32, #tpu.memory_space<vmem>> -> memref<2x128xi32, #tpu.memory_space<vmem>>
    %dma_start3A_51 = arith.constant 0 : i32
    %dma_start3A_52 = tpu.memref_slice %arg3[%dma_start3A_51, %mul3A_45] : memref<2x320000xi32, #tpu.memory_space<hbm>> -> memref<2x128xi32, #tpu.memory_space<hbm>>
    %dma_start3A_53 = arith.constant 0 : i32
    %dma_start3A_54 = arith.constant 0 : i32
    %dma_start3A_55 = tpu.memref_slice %arg6[%dma_start3A_46, %dma_start3A_53, %dma_start3A_54] : memref<3x2x128xi32, #tpu.memory_space<vmem>> -> memref<1x2x128xi32, #tpu.memory_space<vmem>>
    %dma_start3A_56 = tpu.memref_squeeze %dma_start3A_55 : memref<1x2x128xi32, #tpu.memory_space<vmem>> -> memref<2x128xi32, #tpu.memory_space<vmem>>
    %dma_start3A_57 = arith.constant 0 : i32
    %dma_start3A_58 = tpu.memref_slice %arg3[%dma_start3A_57, %mul3A_45] : memref<2x320000xi32, #tpu.memory_space<hbm>> -> memref<2x128xi32, #tpu.memory_space<hbm>>
    tpu.enqueue_dma source(%dma_start3A_58 : memref<2x128xi32, #tpu.memory_space<hbm>>) target(%dma_start3A_56 : memref<2x128xi32, #tpu.memory_space<vmem>>) target_semaphore(%arg17 : memref<!tpu.dma_semaphore, #tpu.memory_space<semaphore_mem>>)
    %add3A_59 = arith.constant 1 : i32
    %add3A_60 = arith.addi %add3A_4, %add3A_59 : i32
    %mul3A_61 = arith.constant 128 : i32
    %mul3A_62 = arith.muli %add3A_60, %mul3A_61 : i32
    %dma_start3A_63 = arith.constant 0 : i32
    %dma_start3A_64 = arith.constant 1 : i32
    %dma_start3A_65 = arith.constant 0 : i32
    %dma_start3A_66 = tpu.memref_slice %arg5[%dma_start3A_64, %dma_start3A_65] : memref<3x128xi32, #tpu.memory_space<vmem>> -> memref<1x128xi32, #tpu.memory_space<vmem>>
    %dma_start3A_67 = tpu.memref_squeeze %dma_start3A_66 : memref<1x128xi32, #tpu.memory_space<vmem>> -> memref<128xi32, #tpu.memory_space<vmem>>
    %dma_start3A_68 = tpu.memref_slice %arg3[%dma_start3A_63, %mul3A_62] : memref<2x320000xi32, #tpu.memory_space<hbm>> -> memref<1x128xi32, #tpu.memory_space<hbm>>
    %dma_start3A_69 = tpu.memref_squeeze %dma_start3A_68 : memref<1x128xi32, #tpu.memory_space<hbm>> -> memref<128xi32, #tpu.memory_space<hbm>>
    %dma_start3A_70 = arith.constant 0 : i32
    %dma_start3A_71 = tpu.memref_slice %arg5[%dma_start3A_64, %dma_start3A_70] : memref<3x128xi32, #tpu.memory_space<vmem>> -> memref<1x128xi32, #tpu.memory_space<vmem>>
    %dma_start3A_72 = tpu.memref_squeeze %dma_start3A_71 : memref<1x128xi32, #tpu.memory_space<vmem>> -> memref<128xi32, #tpu.memory_space<vmem>>
    %dma_start3A_73 = tpu.memref_slice %arg3[%dma_start3A_63, %mul3A_62] : memref<2x320000xi32, #tpu.memory_space<hbm>> -> memref<1x128xi32, #tpu.memory_space<hbm>>
    %dma_start3A_74 = tpu.memref_squeeze %dma_start3A_73 : memref<1x128xi32, #tpu.memory_space<hbm>> -> memref<128xi32, #tpu.memory_space<hbm>>
    tpu.enqueue_dma source(%dma_start3A_74 : memref<128xi32, #tpu.memory_space<hbm>>) target(%dma_start3A_72 : memref<128xi32, #tpu.memory_space<vmem>>) target_semaphore(%arg15 : memref<!tpu.dma_semaphore, #tpu.memory_space<semaphore_mem>>)
    %add3A_75 = arith.constant 1 : i32
    %add3A_76 = arith.addi %add3A_4, %add3A_75 : i32
    %mul3A_77 = arith.constant 128 : i32
    %mul3A_78 = arith.muli %add3A_76, %mul3A_77 : i32
    %dma_start3A_79 = arith.constant 1 : i32
    %dma_start3A_80 = arith.constant 0 : i32
    %dma_start3A_81 = arith.constant 0 : i32
    %dma_start3A_82 = tpu.memref_slice %arg6[%dma_start3A_79, %dma_start3A_80, %dma_start3A_81] : memref<3x2x128xi32, #tpu.memory_space<vmem>> -> memref<1x2x128xi32, #tpu.memory_space<vmem>>
    %dma_start3A_83 = tpu.memref_squeeze %dma_start3A_82 : memref<1x2x128xi32, #tpu.memory_space<vmem>> -> memref<2x128xi32, #tpu.memory_space<vmem>>
    %dma_start3A_84 = arith.constant 0 : i32
    %dma_start3A_85 = tpu.memref_slice %arg3[%dma_start3A_84, %mul3A_78] : memref<2x320000xi32, #tpu.memory_space<hbm>> -> memref<2x128xi32, #tpu.memory_space<hbm>>
    %dma_start3A_86 = arith.constant 0 : i32
    %dma_start3A_87 = arith.constant 0 : i32
    %dma_start3A_88 = tpu.memref_slice %arg6[%dma_start3A_79, %dma_start3A_86, %dma_start3A_87] : memref<3x2x128xi32, #tpu.memory_space<vmem>> -> memref<1x2x128xi32, #tpu.memory_space<vmem>>
    %dma_start3A_89 = tpu.memref_squeeze %dma_start3A_88 : memref<1x2x128xi32, #tpu.memory_space<vmem>> -> memref<2x128xi32, #tpu.memory_space<vmem>>
    %dma_start3A_90 = arith.constant 0 : i32
    %dma_start3A_91 = tpu.memref_slice %arg3[%dma_start3A_90, %mul3A_78] : memref<2x320000xi32, #tpu.memory_space<hbm>> -> memref<2x128xi32, #tpu.memory_space<hbm>>
    tpu.enqueue_dma source(%dma_start3A_91 : memref<2x128xi32, #tpu.memory_space<hbm>>) target(%dma_start3A_89 : memref<2x128xi32, #tpu.memory_space<vmem>>) target_semaphore(%arg18 : memref<!tpu.dma_semaphore, #tpu.memory_space<semaphore_mem>>)
    %add3A_92 = arith.constant 2 : i32
    %add3A_93 = arith.addi %add3A_4, %add3A_92 : i32
    %mul3A_94 = arith.constant 128 : i32
    %mul3A_95 = arith.muli %add3A_93, %mul3A_94 : i32
    %dma_start3A_96 = arith.constant 0 : i32
    %dma_start3A_97 = arith.constant 2 : i32
    %dma_start3A_98 = arith.constant 0 : i32
    %dma_start3A_99 = tpu.memref_slice %arg5[%dma_start3A_97, %dma_start3A_98] : memref<3x128xi32, #tpu.memory_space<vmem>> -> memref<1x128xi32, #tpu.memory_space<vmem>>
    %dma_start3A_100 = tpu.memref_squeeze %dma_start3A_99 : memref<1x128xi32, #tpu.memory_space<vmem>> -> memref<128xi32, #tpu.memory_space<vmem>>
    %dma_start3A_101 = tpu.memref_slice %arg3[%dma_start3A_96, %mul3A_95] : memref<2x320000xi32, #tpu.memory_space<hbm>> -> memref<1x128xi32, #tpu.memory_space<hbm>>
    %dma_start3A_102 = tpu.memref_squeeze %dma_start3A_101 : memref<1x128xi32, #tpu.memory_space<hbm>> -> memref<128xi32, #tpu.memory_space<hbm>>
    %dma_start3A_103 = arith.constant 0 : i32
    %dma_start3A_104 = tpu.memref_slice %arg5[%dma_start3A_97, %dma_start3A_103] : memref<3x128xi32, #tpu.memory_space<vmem>> -> memref<1x128xi32, #tpu.memory_space<vmem>>
    %dma_start3A_105 = tpu.memref_squeeze %dma_start3A_104 : memref<1x128xi32, #tpu.memory_space<vmem>> -> memref<128xi32, #tpu.memory_space<vmem>>
    %dma_start3A_106 = tpu.memref_slice %arg3[%dma_start3A_96, %mul3A_95] : memref<2x320000xi32, #tpu.memory_space<hbm>> -> memref<1x128xi32, #tpu.memory_space<hbm>>
    %dma_start3A_107 = tpu.memref_squeeze %dma_start3A_106 : memref<1x128xi32, #tpu.memory_space<hbm>> -> memref<128xi32, #tpu.memory_space<hbm>>
    tpu.enqueue_dma source(%dma_start3A_107 : memref<128xi32, #tpu.memory_space<hbm>>) target(%dma_start3A_105 : memref<128xi32, #tpu.memory_space<vmem>>) target_semaphore(%arg16 : memref<!tpu.dma_semaphore, #tpu.memory_space<semaphore_mem>>)
    %add3A_108 = arith.constant 2 : i32
    %add3A_109 = arith.addi %add3A_4, %add3A_108 : i32
    %mul3A_110 = arith.constant 128 : i32
    %mul3A_111 = arith.muli %add3A_109, %mul3A_110 : i32
    %dma_start3A_112 = arith.constant 2 : i32
    %dma_start3A_113 = arith.constant 0 : i32
    %dma_start3A_114 = arith.constant 0 : i32
    %dma_start3A_115 = tpu.memref_slice %arg6[%dma_start3A_112, %dma_start3A_113, %dma_start3A_114] : memref<3x2x128xi32, #tpu.memory_space<vmem>> -> memref<1x2x128xi32, #tpu.memory_space<vmem>>
    %dma_start3A_116 = tpu.memref_squeeze %dma_start3A_115 : memref<1x2x128xi32, #tpu.memory_space<vmem>> -> memref<2x128xi32, #tpu.memory_space<vmem>>
    %dma_start3A_117 = arith.constant 0 : i32
    %dma_start3A_118 = tpu.memref_slice %arg3[%dma_start3A_117, %mul3A_111] : memref<2x320000xi32, #tpu.memory_space<hbm>> -> memref<2x128xi32, #tpu.memory_space<hbm>>
    %dma_start3A_119 = arith.constant 0 : i32
    %dma_start3A_120 = arith.constant 0 : i32
    %dma_start3A_121 = tpu.memref_slice %arg6[%dma_start3A_112, %dma_start3A_119, %dma_start3A_120] : memref<3x2x128xi32, #tpu.memory_space<vmem>> -> memref<1x2x128xi32, #tpu.memory_space<vmem>>
    %dma_start3A_122 = tpu.memref_squeeze %dma_start3A_121 : memref<1x2x128xi32, #tpu.memory_space<vmem>> -> memref<2x128xi32, #tpu.memory_space<vmem>>
    %dma_start3A_123 = arith.constant 0 : i32
    %dma_start3A_124 = tpu.memref_slice %arg3[%dma_start3A_123, %mul3A_111] : memref<2x320000xi32, #tpu.memory_space<hbm>> -> memref<2x128xi32, #tpu.memory_space<hbm>>
    tpu.enqueue_dma source(%dma_start3A_124 : memref<2x128xi32, #tpu.memory_space<hbm>>) target(%dma_start3A_122 : memref<2x128xi32, #tpu.memory_space<vmem>>) target_semaphore(%arg19 : memref<!tpu.dma_semaphore, #tpu.memory_space<semaphore_mem>>)
    %add3A_125 = arith.constant 0 : i32
    %add3A_126 = arith.addi %add3A_4, %add3A_125 : i32
    %mul3A_127 = arith.constant 128 : i32
    %mul3A_128 = arith.muli %add3A_126, %mul3A_127 : i32
    %dma_wait3A = arith.constant 0 : i32
    %dma_wait3A_129 = arith.constant 0 : i32
    %dma_wait3A_130 = arith.constant 0 : i32
    %dma_wait3A_131 = tpu.memref_slice %arg5[%dma_wait3A_129, %dma_wait3A_130] : memref<3x128xi32, #tpu.memory_space<vmem>> -> memref<1x128xi32, #tpu.memory_space<vmem>>
    %dma_wait3A_132 = tpu.memref_squeeze %dma_wait3A_131 : memref<1x128xi32, #tpu.memory_space<vmem>> -> memref<128xi32, #tpu.memory_space<vmem>>
    %dma_wait3A_133 = tpu.memref_slice %arg3[%dma_wait3A, %mul3A_128] : memref<2x320000xi32, #tpu.memory_space<hbm>> -> memref<1x128xi32, #tpu.memory_space<hbm>>
    %dma_wait3A_134 = tpu.memref_squeeze %dma_wait3A_133 : memref<1x128xi32, #tpu.memory_space<hbm>> -> memref<128xi32, #tpu.memory_space<hbm>>
    %dma_wait3A_135 = arith.constant 0 : i32
    %dma_wait3A_136 = tpu.memref_slice %arg5[%dma_wait3A_129, %dma_wait3A_135] : memref<3x128xi32, #tpu.memory_space<vmem>> -> memref<1x128xi32, #tpu.memory_space<vmem>>
    %dma_wait3A_137 = tpu.memref_squeeze %dma_wait3A_136 : memref<1x128xi32, #tpu.memory_space<vmem>> -> memref<128xi32, #tpu.memory_space<vmem>>
    %dma_wait3A_138 = tpu.memref_slice %arg3[%dma_wait3A, %mul3A_128] : memref<2x320000xi32, #tpu.memory_space<hbm>> -> memref<1x128xi32, #tpu.memory_space<hbm>>
    %dma_wait3A_139 = tpu.memref_squeeze %dma_wait3A_138 : memref<1x128xi32, #tpu.memory_space<hbm>> -> memref<128xi32, #tpu.memory_space<hbm>>
    tpu.wait_dma2 semaphore(%arg14 : memref<!tpu.dma_semaphore, #tpu.memory_space<semaphore_mem>>) src(%dma_wait3A_139 : memref<128xi32, #tpu.memory_space<hbm>>) dst(%dma_wait3A_137 : memref<128xi32, #tpu.memory_space<vmem>>)
    %dma_start3A_140 = arith.constant 0 : i32
    %dma_start3A_141 = arith.constant 0 : i32
    %dma_start3A_142 = tpu.memref_slice %arg5[%dma_start3A_140, %dma_start3A_141] : memref<3x128xi32, #tpu.memory_space<vmem>> -> memref<1x128xi32, #tpu.memory_space<vmem>>
    %dma_start3A_143 = tpu.memref_squeeze %dma_start3A_142 : memref<1x128xi32, #tpu.memory_space<vmem>> -> memref<128xi32, #tpu.memory_space<vmem>>
    %dma_start3A_144 = arith.constant 0 : i32
    %dma_start3A_145 = arith.constant 0 : i32
    %dma_start3A_146 = tpu.memref_slice %arg2[%dma_start3A_144, %dma_start3A_145] : memref<10000x128xf32, #tpu.memory_space<hbm>> -> memref<10000x128xf32, #tpu.memory_space<hbm>>
    tpu.enqueue_indirect_dma source(%dma_start3A_146 : memref<10000x128xf32, #tpu.memory_space<hbm>>) target(%arg7 : memref<128x128xf32, #tpu.memory_space<vmem>>) offsets(%dma_start3A_143 : memref<128xi32, #tpu.memory_space<vmem>>) semaphore(%arg11 : memref<!tpu.dma_semaphore, #tpu.memory_space<semaphore_mem>>)
    %add3A_147 = arith.constant 1 : i32
    %add3A_148 = arith.addi %add3A_4, %add3A_147 : i32
    %mul3A_149 = arith.constant 128 : i32
    %mul3A_150 = arith.muli %add3A_148, %mul3A_149 : i32
    %dma_wait3A_151 = arith.constant 0 : i32
    %dma_wait3A_152 = arith.constant 1 : i32
    %dma_wait3A_153 = arith.constant 0 : i32
    %dma_wait3A_154 = tpu.memref_slice %arg5[%dma_wait3A_152, %dma_wait3A_153] : memref<3x128xi32, #tpu.memory_space<vmem>> -> memref<1x128xi32, #tpu.memory_space<vmem>>
    %dma_wait3A_155 = tpu.memref_squeeze %dma_wait3A_154 : memref<1x128xi32, #tpu.memory_space<vmem>> -> memref<128xi32, #tpu.memory_space<vmem>>
    %dma_wait3A_156 = tpu.memref_slice %arg3[%dma_wait3A_151, %mul3A_150] : memref<2x320000xi32, #tpu.memory_space<hbm>> -> memref<1x128xi32, #tpu.memory_space<hbm>>
    %dma_wait3A_157 = tpu.memref_squeeze %dma_wait3A_156 : memref<1x128xi32, #tpu.memory_space<hbm>> -> memref<128xi32, #tpu.memory_space<hbm>>
    %dma_wait3A_158 = arith.constant 0 : i32
    %dma_wait3A_159 = tpu.memref_slice %arg5[%dma_wait3A_152, %dma_wait3A_158] : memref<3x128xi32, #tpu.memory_space<vmem>> -> memref<1x128xi32, #tpu.memory_space<vmem>>
    %dma_wait3A_160 = tpu.memref_squeeze %dma_wait3A_159 : memref<1x128xi32, #tpu.memory_space<vmem>> -> memref<128xi32, #tpu.memory_space<vmem>>
    %dma_wait3A_161 = tpu.memref_slice %arg3[%dma_wait3A_151, %mul3A_150] : memref<2x320000xi32, #tpu.memory_space<hbm>> -> memref<1x128xi32, #tpu.memory_space<hbm>>
    %dma_wait3A_162 = tpu.memref_squeeze %dma_wait3A_161 : memref<1x128xi32, #tpu.memory_space<hbm>> -> memref<128xi32, #tpu.memory_space<hbm>>
    tpu.wait_dma2 semaphore(%arg15 : memref<!tpu.dma_semaphore, #tpu.memory_space<semaphore_mem>>) src(%dma_wait3A_162 : memref<128xi32, #tpu.memory_space<hbm>>) dst(%dma_wait3A_160 : memref<128xi32, #tpu.memory_space<vmem>>)
    %dma_start3A_163 = arith.constant 1 : i32
    %dma_start3A_164 = arith.constant 0 : i32
    %dma_start3A_165 = tpu.memref_slice %arg5[%dma_start3A_163, %dma_start3A_164] : memref<3x128xi32, #tpu.memory_space<vmem>> -> memref<1x128xi32, #tpu.memory_space<vmem>>
    %dma_start3A_166 = tpu.memref_squeeze %dma_start3A_165 : memref<1x128xi32, #tpu.memory_space<vmem>> -> memref<128xi32, #tpu.memory_space<vmem>>
    %dma_start3A_167 = arith.constant 0 : i32
    %dma_start3A_168 = arith.constant 0 : i32
    %dma_start3A_169 = tpu.memref_slice %arg2[%dma_start3A_167, %dma_start3A_168] : memref<10000x128xf32, #tpu.memory_space<hbm>> -> memref<10000x128xf32, #tpu.memory_space<hbm>>
    tpu.enqueue_indirect_dma source(%dma_start3A_169 : memref<10000x128xf32, #tpu.memory_space<hbm>>) target(%arg8 : memref<128x128xf32, #tpu.memory_space<vmem>>) offsets(%dma_start3A_166 : memref<128xi32, #tpu.memory_space<vmem>>) semaphore(%arg12 : memref<!tpu.dma_semaphore, #tpu.memory_space<semaphore_mem>>)
    %add3A_170 = arith.constant 2 : i32
    %add3A_171 = arith.addi %add3A_4, %add3A_170 : i32
    %mul3A_172 = arith.constant 128 : i32
    %mul3A_173 = arith.muli %add3A_171, %mul3A_172 : i32
    %dma_wait3A_174 = arith.constant 0 : i32
    %dma_wait3A_175 = arith.constant 2 : i32
    %dma_wait3A_176 = arith.constant 0 : i32
    %dma_wait3A_177 = tpu.memref_slice %arg5[%dma_wait3A_175, %dma_wait3A_176] : memref<3x128xi32, #tpu.memory_space<vmem>> -> memref<1x128xi32, #tpu.memory_space<vmem>>
    %dma_wait3A_178 = tpu.memref_squeeze %dma_wait3A_177 : memref<1x128xi32, #tpu.memory_space<vmem>> -> memref<128xi32, #tpu.memory_space<vmem>>
    %dma_wait3A_179 = tpu.memref_slice %arg3[%dma_wait3A_174, %mul3A_173] : memref<2x320000xi32, #tpu.memory_space<hbm>> -> memref<1x128xi32, #tpu.memory_space<hbm>>
    %dma_wait3A_180 = tpu.memref_squeeze %dma_wait3A_179 : memref<1x128xi32, #tpu.memory_space<hbm>> -> memref<128xi32, #tpu.memory_space<hbm>>
    %dma_wait3A_181 = arith.constant 0 : i32
    %dma_wait3A_182 = tpu.memref_slice %arg5[%dma_wait3A_175, %dma_wait3A_181] : memref<3x128xi32, #tpu.memory_space<vmem>> -> memref<1x128xi32, #tpu.memory_space<vmem>>
    %dma_wait3A_183 = tpu.memref_squeeze %dma_wait3A_182 : memref<1x128xi32, #tpu.memory_space<vmem>> -> memref<128xi32, #tpu.memory_space<vmem>>
    %dma_wait3A_184 = tpu.memref_slice %arg3[%dma_wait3A_174, %mul3A_173] : memref<2x320000xi32, #tpu.memory_space<hbm>> -> memref<1x128xi32, #tpu.memory_space<hbm>>
    %dma_wait3A_185 = tpu.memref_squeeze %dma_wait3A_184 : memref<1x128xi32, #tpu.memory_space<hbm>> -> memref<128xi32, #tpu.memory_space<hbm>>
    tpu.wait_dma2 semaphore(%arg16 : memref<!tpu.dma_semaphore, #tpu.memory_space<semaphore_mem>>) src(%dma_wait3A_185 : memref<128xi32, #tpu.memory_space<hbm>>) dst(%dma_wait3A_183 : memref<128xi32, #tpu.memory_space<vmem>>)
    %dma_start3A_186 = arith.constant 2 : i32
    %dma_start3A_187 = arith.constant 0 : i32
    %dma_start3A_188 = tpu.memref_slice %arg5[%dma_start3A_186, %dma_start3A_187] : memref<3x128xi32, #tpu.memory_space<vmem>> -> memref<1x128xi32, #tpu.memory_space<vmem>>
    %dma_start3A_189 = tpu.memref_squeeze %dma_start3A_188 : memref<1x128xi32, #tpu.memory_space<vmem>> -> memref<128xi32, #tpu.memory_space<vmem>>
    %dma_start3A_190 = arith.constant 0 : i32
    %dma_start3A_191 = arith.constant 0 : i32
    %dma_start3A_192 = tpu.memref_slice %arg2[%dma_start3A_190, %dma_start3A_191] : memref<10000x128xf32, #tpu.memory_space<hbm>> -> memref<10000x128xf32, #tpu.memory_space<hbm>>
    tpu.enqueue_indirect_dma source(%dma_start3A_192 : memref<10000x128xf32, #tpu.memory_space<hbm>>) target(%arg9 : memref<128x128xf32, #tpu.memory_space<vmem>>) offsets(%dma_start3A_189 : memref<128xi32, #tpu.memory_space<vmem>>) semaphore(%arg13 : memref<!tpu.dma_semaphore, #tpu.memory_space<semaphore_mem>>)
    %barrier3A = arith.constant 0 : index
    tpu.barrier barrier_id(%barrier3A)
    %scan3A_193 = arith.constant 0 : i32
    %scan3A_194 = arith.constant 0 : i32
    %scan3A_195 = arith.constant 25 : i32
    %scan3A_196 = arith.addi %scan3A_194, %scan3A_195 : i32
    %scan3A_197 = arith.constant 1 : i32
    %scan3A_198 = scf.for %scan3A_298 = %scan3A_194 to %scan3A_196 step %scan3A_197 iter_args(%scan3A_299 = %scan3A_193) -> (i32)  : i32 {
      %mul3A_300 = arith.constant 3 : i32
      %mul3A_301 = arith.muli %mul3A_300, %scan3A_298 : i32
      %add3A_302 = arith.addi %add3A_4, %mul3A_301 : i32
      %add3A_303 = arith.constant 0 : i32
      %add3A_304 = arith.addi %add3A_302, %add3A_303 : i32
      %dma_wait3A_305 = arith.constant 0 : i32
      %dma_wait3A_306 = arith.constant 0 : i32
      %dma_wait3A_307 = tpu.memref_slice %arg5[%dma_wait3A_305, %dma_wait3A_306] : memref<3x128xi32, #tpu.memory_space<vmem>> -> memref<1x128xi32, #tpu.memory_space<vmem>>
      %dma_wait3A_308 = tpu.memref_squeeze %dma_wait3A_307 : memref<1x128xi32, #tpu.memory_space<vmem>> -> memref<128xi32, #tpu.memory_space<vmem>>
      %dma_wait3A_309 = arith.constant 0 : i32
      %dma_wait3A_310 = arith.constant 0 : i32
      %dma_wait3A_311 = tpu.memref_slice %arg2[%dma_wait3A_309, %dma_wait3A_310] : memref<10000x128xf32, #tpu.memory_space<hbm>> -> memref<10000x128xf32, #tpu.memory_space<hbm>>
      tpu.wait_indirect_dma semaphore(%arg11 : memref<!tpu.dma_semaphore, #tpu.memory_space<semaphore_mem>>) src(%dma_wait3A_311 : memref<10000x128xf32, #tpu.memory_space<hbm>>) dst(%arg7 : memref<128x128xf32, #tpu.memory_space<vmem>>)
      %add3A_312 = arith.constant 3 : i32
      %add3A_313 = arith.addi %add3A_304, %add3A_312 : i32
      %mul3A_314 = arith.constant 128 : i32
      %mul3A_315 = arith.muli %add3A_313, %mul3A_314 : i32
      %dma_start3A_316 = arith.constant 0 : i32
      %dma_start3A_317 = arith.constant 0 : i32
      %dma_start3A_318 = arith.constant 0 : i32
      %dma_start3A_319 = tpu.memref_slice %arg5[%dma_start3A_317, %dma_start3A_318] : memref<3x128xi32, #tpu.memory_space<vmem>> -> memref<1x128xi32, #tpu.memory_space<vmem>>
      %dma_start3A_320 = tpu.memref_squeeze %dma_start3A_319 : memref<1x128xi32, #tpu.memory_space<vmem>> -> memref<128xi32, #tpu.memory_space<vmem>>
      %dma_start3A_321 = tpu.memref_slice %arg3[%dma_start3A_316, %mul3A_315] : memref<2x320000xi32, #tpu.memory_space<hbm>> -> memref<1x128xi32, #tpu.memory_space<hbm>>
      %dma_start3A_322 = tpu.memref_squeeze %dma_start3A_321 : memref<1x128xi32, #tpu.memory_space<hbm>> -> memref<128xi32, #tpu.memory_space<hbm>>
      %dma_start3A_323 = arith.constant 0 : i32
      %dma_start3A_324 = tpu.memref_slice %arg5[%dma_start3A_317, %dma_start3A_323] : memref<3x128xi32, #tpu.memory_space<vmem>> -> memref<1x128xi32, #tpu.memory_space<vmem>>
      %dma_start3A_325 = tpu.memref_squeeze %dma_start3A_324 : memref<1x128xi32, #tpu.memory_space<vmem>> -> memref<128xi32, #tpu.memory_space<vmem>>
      %dma_start3A_326 = tpu.memref_slice %arg3[%dma_start3A_316, %mul3A_315] : memref<2x320000xi32, #tpu.memory_space<hbm>> -> memref<1x128xi32, #tpu.memory_space<hbm>>
      %dma_start3A_327 = tpu.memref_squeeze %dma_start3A_326 : memref<1x128xi32, #tpu.memory_space<hbm>> -> memref<128xi32, #tpu.memory_space<hbm>>
      tpu.enqueue_dma source(%dma_start3A_327 : memref<128xi32, #tpu.memory_space<hbm>>) target(%dma_start3A_325 : memref<128xi32, #tpu.memory_space<vmem>>) target_semaphore(%arg14 : memref<!tpu.dma_semaphore, #tpu.memory_space<semaphore_mem>>)
      %mul3A_328 = arith.constant 128 : i32
      %mul3A_329 = arith.muli %add3A_304, %mul3A_328 : i32
      %dma_wait3A_330 = arith.constant 0 : i32
      %dma_wait3A_331 = arith.constant 0 : i32
      %dma_wait3A_332 = arith.constant 0 : i32
      %dma_wait3A_333 = tpu.memref_slice %arg6[%dma_wait3A_330, %dma_wait3A_331, %dma_wait3A_332] : memref<3x2x128xi32, #tpu.memory_space<vmem>> -> memref<1x2x128xi32, #tpu.memory_space<vmem>>
      %dma_wait3A_334 = tpu.memref_squeeze %dma_wait3A_333 : memref<1x2x128xi32, #tpu.memory_space<vmem>> -> memref<2x128xi32, #tpu.memory_space<vmem>>
      %dma_wait3A_335 = arith.constant 0 : i32
      %dma_wait3A_336 = tpu.memref_slice %arg3[%dma_wait3A_335, %mul3A_329] : memref<2x320000xi32, #tpu.memory_space<hbm>> -> memref<2x128xi32, #tpu.memory_space<hbm>>
      %dma_wait3A_337 = arith.constant 0 : i32
      %dma_wait3A_338 = arith.constant 0 : i32
      %dma_wait3A_339 = tpu.memref_slice %arg6[%dma_wait3A_330, %dma_wait3A_337, %dma_wait3A_338] : memref<3x2x128xi32, #tpu.memory_space<vmem>> -> memref<1x2x128xi32, #tpu.memory_space<vmem>>
      %dma_wait3A_340 = tpu.memref_squeeze %dma_wait3A_339 : memref<1x2x128xi32, #tpu.memory_space<vmem>> -> memref<2x128xi32, #tpu.memory_space<vmem>>
      %dma_wait3A_341 = arith.constant 0 : i32
      %dma_wait3A_342 = tpu.memref_slice %arg3[%dma_wait3A_341, %mul3A_329] : memref<2x320000xi32, #tpu.memory_space<hbm>> -> memref<2x128xi32, #tpu.memory_space<hbm>>
      tpu.wait_dma2 semaphore(%arg17 : memref<!tpu.dma_semaphore, #tpu.memory_space<semaphore_mem>>) src(%dma_wait3A_342 : memref<2x128xi32, #tpu.memory_space<hbm>>) dst(%dma_wait3A_340 : memref<2x128xi32, #tpu.memory_space<vmem>>)
      %run_scoped3A_343 = arith.constant 0 : i32
      %run_scoped3A_344 = arith.constant 1 : i32
      "tpu.region"() ({
        %run_scoped3A_552 = tpu.sem_alloc : memref<!tpu.dma_semaphore, #tpu.memory_space<semaphore_mem>>
        %dma_start3A_553 = arith.constant 0 : i32
        %dma_start3A_554 = tpu.memref_slice %arg6[%run_scoped3A_343, %run_scoped3A_344, %dma_start3A_553] : memref<3x2x128xi32, #tpu.memory_space<vmem>> -> memref<1x1x128xi32, #tpu.memory_space<vmem>>
        %dma_start3A_555 = tpu.memref_squeeze %dma_start3A_554 : memref<1x1x128xi32, #tpu.memory_space<vmem>> -> memref<128xi32, #tpu.memory_space<vmem>>
        %dma_start3A_556 = arith.constant 0 : i32
        %dma_start3A_557 = arith.constant 0 : i32
        %dma_start3A_558 = tpu.memref_slice %arg10[%dma_start3A_556, %dma_start3A_557] : memref<10000x128xf32, #tpu.memory_space<vmem_shared>> -> memref<10000x128xf32, #tpu.memory_space<vmem_shared>>
        tpu.enqueue_indirect_dma source(%arg7 : memref<128x128xf32, #tpu.memory_space<vmem>>) target(%dma_start3A_558 : memref<10000x128xf32, #tpu.memory_space<vmem_shared>>) offsets(%dma_start3A_555 : memref<128xi32, #tpu.memory_space<vmem>>) semaphore(%run_scoped3A_552 : memref<!tpu.dma_semaphore, #tpu.memory_space<semaphore_mem>>) {add = true}
        %dma_wait3A_559 = arith.constant 0 : i32
        %dma_wait3A_560 = tpu.memref_slice %arg6[%run_scoped3A_343, %run_scoped3A_344, %dma_wait3A_559] : memref<3x2x128xi32, #tpu.memory_space<vmem>> -> memref<1x1x128xi32, #tpu.memory_space<vmem>>
        %dma_wait3A_561 = tpu.memref_squeeze %dma_wait3A_560 : memref<1x1x128xi32, #tpu.memory_space<vmem>> -> memref<128xi32, #tpu.memory_space<vmem>>
        %dma_wait3A_562 = arith.constant 0 : i32
        %dma_wait3A_563 = arith.constant 0 : i32
        %dma_wait3A_564 = tpu.memref_slice %arg10[%dma_wait3A_562, %dma_wait3A_563] : memref<10000x128xf32, #tpu.memory_space<vmem_shared>> -> memref<10000x128xf32, #tpu.memory_space<vmem_shared>>
        tpu.wait_indirect_dma semaphore(%run_scoped3A_552 : memref<!tpu.dma_semaphore, #tpu.memory_space<semaphore_mem>>) src(%arg7 : memref<128x128xf32, #tpu.memory_space<vmem>>) dst(%dma_wait3A_564 : memref<10000x128xf32, #tpu.memory_space<vmem_shared>>)
        tpu.yield
      }) : () -> ()
      %add3A_345 = arith.constant 3 : i32
      %add3A_346 = arith.addi %add3A_304, %add3A_345 : i32
      %mul3A_347 = arith.constant 128 : i32
      %mul3A_348 = arith.muli %add3A_346, %mul3A_347 : i32
      %dma_start3A_349 = arith.constant 0 : i32
      %dma_start3A_350 = arith.constant 0 : i32
      %dma_start3A_351 = arith.constant 0 : i32
      %dma_start3A_352 = tpu.memref_slice %arg6[%dma_start3A_349, %dma_start3A_350, %dma_start3A_351] : memref<3x2x128xi32, #tpu.memory_space<vmem>> -> memref<1x2x128xi32, #tpu.memory_space<vmem>>
      %dma_start3A_353 = tpu.memref_squeeze %dma_start3A_352 : memref<1x2x128xi32, #tpu.memory_space<vmem>> -> memref<2x128xi32, #tpu.memory_space<vmem>>
      %dma_start3A_354 = arith.constant 0 : i32
      %dma_start3A_355 = tpu.memref_slice %arg3[%dma_start3A_354, %mul3A_348] : memref<2x320000xi32, #tpu.memory_space<hbm>> -> memref<2x128xi32, #tpu.memory_space<hbm>>
      %dma_start3A_356 = arith.constant 0 : i32
      %dma_start3A_357 = arith.constant 0 : i32
      %dma_start3A_358 = tpu.memref_slice %arg6[%dma_start3A_349, %dma_start3A_356, %dma_start3A_357] : memref<3x2x128xi32, #tpu.memory_space<vmem>> -> memref<1x2x128xi32, #tpu.memory_space<vmem>>
      %dma_start3A_359 = tpu.memref_squeeze %dma_start3A_358 : memref<1x2x128xi32, #tpu.memory_space<vmem>> -> memref<2x128xi32, #tpu.memory_space<vmem>>
      %dma_start3A_360 = arith.constant 0 : i32
      %dma_start3A_361 = tpu.memref_slice %arg3[%dma_start3A_360, %mul3A_348] : memref<2x320000xi32, #tpu.memory_space<hbm>> -> memref<2x128xi32, #tpu.memory_space<hbm>>
      tpu.enqueue_dma source(%dma_start3A_361 : memref<2x128xi32, #tpu.memory_space<hbm>>) target(%dma_start3A_359 : memref<2x128xi32, #tpu.memory_space<vmem>>) target_semaphore(%arg17 : memref<!tpu.dma_semaphore, #tpu.memory_space<semaphore_mem>>)
      %add3A_362 = arith.constant 3 : i32
      %add3A_363 = arith.addi %add3A_304, %add3A_362 : i32
      %mul3A_364 = arith.constant 128 : i32
      %mul3A_365 = arith.muli %add3A_363, %mul3A_364 : i32
      %dma_wait3A_366 = arith.constant 0 : i32
      %dma_wait3A_367 = arith.constant 0 : i32
      %dma_wait3A_368 = arith.constant 0 : i32
      %dma_wait3A_369 = tpu.memref_slice %arg5[%dma_wait3A_367, %dma_wait3A_368] : memref<3x128xi32, #tpu.memory_space<vmem>> -> memref<1x128xi32, #tpu.memory_space<vmem>>
      %dma_wait3A_370 = tpu.memref_squeeze %dma_wait3A_369 : memref<1x128xi32, #tpu.memory_space<vmem>> -> memref<128xi32, #tpu.memory_space<vmem>>
      %dma_wait3A_371 = tpu.memref_slice %arg3[%dma_wait3A_366, %mul3A_365] : memref<2x320000xi32, #tpu.memory_space<hbm>> -> memref<1x128xi32, #tpu.memory_space<hbm>>
      %dma_wait3A_372 = tpu.memref_squeeze %dma_wait3A_371 : memref<1x128xi32, #tpu.memory_space<hbm>> -> memref<128xi32, #tpu.memory_space<hbm>>
      %dma_wait3A_373 = arith.constant 0 : i32
      %dma_wait3A_374 = tpu.memref_slice %arg5[%dma_wait3A_367, %dma_wait3A_373] : memref<3x128xi32, #tpu.memory_space<vmem>> -> memref<1x128xi32, #tpu.memory_space<vmem>>
      %dma_wait3A_375 = tpu.memref_squeeze %dma_wait3A_374 : memref<1x128xi32, #tpu.memory_space<vmem>> -> memref<128xi32, #tpu.memory_space<vmem>>
      %dma_wait3A_376 = tpu.memref_slice %arg3[%dma_wait3A_366, %mul3A_365] : memref<2x320000xi32, #tpu.memory_space<hbm>> -> memref<1x128xi32, #tpu.memory_space<hbm>>
      %dma_wait3A_377 = tpu.memref_squeeze %dma_wait3A_376 : memref<1x128xi32, #tpu.memory_space<hbm>> -> memref<128xi32, #tpu.memory_space<hbm>>
      tpu.wait_dma2 semaphore(%arg14 : memref<!tpu.dma_semaphore, #tpu.memory_space<semaphore_mem>>) src(%dma_wait3A_377 : memref<128xi32, #tpu.memory_space<hbm>>) dst(%dma_wait3A_375 : memref<128xi32, #tpu.memory_space<vmem>>)
      %dma_start3A_378 = arith.constant 0 : i32
      %dma_start3A_379 = arith.constant 0 : i32
      %dma_start3A_380 = tpu.memref_slice %arg5[%dma_start3A_378, %dma_start3A_379] : memref<3x128xi32, #tpu.memory_space<vmem>> -> memref<1x128xi32, #tpu.memory_space<vmem>>
      %dma_start3A_381 = tpu.memref_squeeze %dma_start3A_380 : memref<1x128xi32, #tpu.memory_space<vmem>> -> memref<128xi32, #tpu.memory_space<vmem>>
      %dma_start3A_382 = arith.constant 0 : i32
      %dma_start3A_383 = arith.constant 0 : i32
      %dma_start3A_384 = tpu.memref_slice %arg2[%dma_start3A_382, %dma_start3A_383] : memref<10000x128xf32, #tpu.memory_space<hbm>> -> memref<10000x128xf32, #tpu.memory_space<hbm>>
      tpu.enqueue_indirect_dma source(%dma_start3A_384 : memref<10000x128xf32, #tpu.memory_space<hbm>>) target(%arg7 : memref<128x128xf32, #tpu.memory_space<vmem>>) offsets(%dma_start3A_381 : memref<128xi32, #tpu.memory_space<vmem>>) semaphore(%arg11 : memref<!tpu.dma_semaphore, #tpu.memory_space<semaphore_mem>>)
      %add3A_385 = arith.addi %add3A_4, %mul3A_301 : i32
      %add3A_386 = arith.constant 1 : i32
      %add3A_387 = arith.addi %add3A_385, %add3A_386 : i32
      %dma_wait3A_388 = arith.constant 1 : i32
      %dma_wait3A_389 = arith.constant 0 : i32
      %dma_wait3A_390 = tpu.memref_slice %arg5[%dma_wait3A_388, %dma_wait3A_389] : memref<3x128xi32, #tpu.memory_space<vmem>> -> memref<1x128xi32, #tpu.memory_space<vmem>>
      %dma_wait3A_391 = tpu.memref_squeeze %dma_wait3A_390 : memref<1x128xi32, #tpu.memory_space<vmem>> -> memref<128xi32, #tpu.memory_space<vmem>>
      %dma_wait3A_392 = arith.constant 0 : i32
      %dma_wait3A_393 = arith.constant 0 : i32
      %dma_wait3A_394 = tpu.memref_slice %arg2[%dma_wait3A_392, %dma_wait3A_393] : memref<10000x128xf32, #tpu.memory_space<hbm>> -> memref<10000x128xf32, #tpu.memory_space<hbm>>
      tpu.wait_indirect_dma semaphore(%arg12 : memref<!tpu.dma_semaphore, #tpu.memory_space<semaphore_mem>>) src(%dma_wait3A_394 : memref<10000x128xf32, #tpu.memory_space<hbm>>) dst(%arg8 : memref<128x128xf32, #tpu.memory_space<vmem>>)
      %add3A_395 = arith.constant 3 : i32
      %add3A_396 = arith.addi %add3A_387, %add3A_395 : i32
      %mul3A_397 = arith.constant 128 : i32
      %mul3A_398 = arith.muli %add3A_396, %mul3A_397 : i32
      %dma_start3A_399 = arith.constant 0 : i32
      %dma_start3A_400 = arith.constant 1 : i32
      %dma_start3A_401 = arith.constant 0 : i32
      %dma_start3A_402 = tpu.memref_slice %arg5[%dma_start3A_400, %dma_start3A_401] : memref<3x128xi32, #tpu.memory_space<vmem>> -> memref<1x128xi32, #tpu.memory_space<vmem>>
      %dma_start3A_403 = tpu.memref_squeeze %dma_start3A_402 : memref<1x128xi32, #tpu.memory_space<vmem>> -> memref<128xi32, #tpu.memory_space<vmem>>
      %dma_start3A_404 = tpu.memref_slice %arg3[%dma_start3A_399, %mul3A_398] : memref<2x320000xi32, #tpu.memory_space<hbm>> -> memref<1x128xi32, #tpu.memory_space<hbm>>
      %dma_start3A_405 = tpu.memref_squeeze %dma_start3A_404 : memref<1x128xi32, #tpu.memory_space<hbm>> -> memref<128xi32, #tpu.memory_space<hbm>>
      %dma_start3A_406 = arith.constant 0 : i32
      %dma_start3A_407 = tpu.memref_slice %arg5[%dma_start3A_400, %dma_start3A_406] : memref<3x128xi32, #tpu.memory_space<vmem>> -> memref<1x128xi32, #tpu.memory_space<vmem>>
      %dma_start3A_408 = tpu.memref_squeeze %dma_start3A_407 : memref<1x128xi32, #tpu.memory_space<vmem>> -> memref<128xi32, #tpu.memory_space<vmem>>
      %dma_start3A_409 = tpu.memref_slice %arg3[%dma_start3A_399, %mul3A_398] : memref<2x320000xi32, #tpu.memory_space<hbm>> -> memref<1x128xi32, #tpu.memory_space<hbm>>
      %dma_start3A_410 = tpu.memref_squeeze %dma_start3A_409 : memref<1x128xi32, #tpu.memory_space<hbm>> -> memref<128xi32, #tpu.memory_space<hbm>>
      tpu.enqueue_dma source(%dma_start3A_410 : memref<128xi32, #tpu.memory_space<hbm>>) target(%dma_start3A_408 : memref<128xi32, #tpu.memory_space<vmem>>) target_semaphore(%arg15 : memref<!tpu.dma_semaphore, #tpu.memory_space<semaphore_mem>>)
      %mul3A_411 = arith.constant 128 : i32
      %mul3A_412 = arith.muli %add3A_387, %mul3A_411 : i32
      %dma_wait3A_413 = arith.constant 1 : i32
      %dma_wait3A_414 = arith.constant 0 : i32
      %dma_wait3A_415 = arith.constant 0 : i32
      %dma_wait3A_416 = tpu.memref_slice %arg6[%dma_wait3A_413, %dma_wait3A_414, %dma_wait3A_415] : memref<3x2x128xi32, #tpu.memory_space<vmem>> -> memref<1x2x128xi32, #tpu.memory_space<vmem>>
      %dma_wait3A_417 = tpu.memref_squeeze %dma_wait3A_416 : memref<1x2x128xi32, #tpu.memory_space<vmem>> -> memref<2x128xi32, #tpu.memory_space<vmem>>
      %dma_wait3A_418 = arith.constant 0 : i32
      %dma_wait3A_419 = tpu.memref_slice %arg3[%dma_wait3A_418, %mul3A_412] : memref<2x320000xi32, #tpu.memory_space<hbm>> -> memref<2x128xi32, #tpu.memory_space<hbm>>
      %dma_wait3A_420 = arith.constant 0 : i32
      %dma_wait3A_421 = arith.constant 0 : i32
      %dma_wait3A_422 = tpu.memref_slice %arg6[%dma_wait3A_413, %dma_wait3A_420, %dma_wait3A_421] : memref<3x2x128xi32, #tpu.memory_space<vmem>> -> memref<1x2x128xi32, #tpu.memory_space<vmem>>
      %dma_wait3A_423 = tpu.memref_squeeze %dma_wait3A_422 : memref<1x2x128xi32, #tpu.memory_space<vmem>> -> memref<2x128xi32, #tpu.memory_space<vmem>>
      %dma_wait3A_424 = arith.constant 0 : i32
      %dma_wait3A_425 = tpu.memref_slice %arg3[%dma_wait3A_424, %mul3A_412] : memref<2x320000xi32, #tpu.memory_space<hbm>> -> memref<2x128xi32, #tpu.memory_space<hbm>>
      tpu.wait_dma2 semaphore(%arg18 : memref<!tpu.dma_semaphore, #tpu.memory_space<semaphore_mem>>) src(%dma_wait3A_425 : memref<2x128xi32, #tpu.memory_space<hbm>>) dst(%dma_wait3A_423 : memref<2x128xi32, #tpu.memory_space<vmem>>)
      %run_scoped3A_426 = arith.constant 1 : i32
      %run_scoped3A_427 = arith.constant 1 : i32
      "tpu.region"() ({
        %run_scoped3A_552 = tpu.sem_alloc : memref<!tpu.dma_semaphore, #tpu.memory_space<semaphore_mem>>
        %dma_start3A_553 = arith.constant 0 : i32
        %dma_start3A_554 = tpu.memref_slice %arg6[%run_scoped3A_426, %run_scoped3A_427, %dma_start3A_553] : memref<3x2x128xi32, #tpu.memory_space<vmem>> -> memref<1x1x128xi32, #tpu.memory_space<vmem>>
        %dma_start3A_555 = tpu.memref_squeeze %dma_start3A_554 : memref<1x1x128xi32, #tpu.memory_space<vmem>> -> memref<128xi32, #tpu.memory_space<vmem>>
        %dma_start3A_556 = arith.constant 0 : i32
        %dma_start3A_557 = arith.constant 0 : i32
        %dma_start3A_558 = tpu.memref_slice %arg10[%dma_start3A_556, %dma_start3A_557] : memref<10000x128xf32, #tpu.memory_space<vmem_shared>> -> memref<10000x128xf32, #tpu.memory_space<vmem_shared>>
        tpu.enqueue_indirect_dma source(%arg8 : memref<128x128xf32, #tpu.memory_space<vmem>>) target(%dma_start3A_558 : memref<10000x128xf32, #tpu.memory_space<vmem_shared>>) offsets(%dma_start3A_555 : memref<128xi32, #tpu.memory_space<vmem>>) semaphore(%run_scoped3A_552 : memref<!tpu.dma_semaphore, #tpu.memory_space<semaphore_mem>>) {add = true}
        %dma_wait3A_559 = arith.constant 0 : i32
        %dma_wait3A_560 = tpu.memref_slice %arg6[%run_scoped3A_426, %run_scoped3A_427, %dma_wait3A_559] : memref<3x2x128xi32, #tpu.memory_space<vmem>> -> memref<1x1x128xi32, #tpu.memory_space<vmem>>
        %dma_wait3A_561 = tpu.memref_squeeze %dma_wait3A_560 : memref<1x1x128xi32, #tpu.memory_space<vmem>> -> memref<128xi32, #tpu.memory_space<vmem>>
        %dma_wait3A_562 = arith.constant 0 : i32
        %dma_wait3A_563 = arith.constant 0 : i32
        %dma_wait3A_564 = tpu.memref_slice %arg10[%dma_wait3A_562, %dma_wait3A_563] : memref<10000x128xf32, #tpu.memory_space<vmem_shared>> -> memref<10000x128xf32, #tpu.memory_space<vmem_shared>>
        tpu.wait_indirect_dma semaphore(%run_scoped3A_552 : memref<!tpu.dma_semaphore, #tpu.memory_space<semaphore_mem>>) src(%arg8 : memref<128x128xf32, #tpu.memory_space<vmem>>) dst(%dma_wait3A_564 : memref<10000x128xf32, #tpu.memory_space<vmem_shared>>)
        tpu.yield
      }) : () -> ()
      %add3A_428 = arith.constant 3 : i32
      %add3A_429 = arith.addi %add3A_387, %add3A_428 : i32
      %mul3A_430 = arith.constant 128 : i32
      %mul3A_431 = arith.muli %add3A_429, %mul3A_430 : i32
      %dma_start3A_432 = arith.constant 1 : i32
      %dma_start3A_433 = arith.constant 0 : i32
      %dma_start3A_434 = arith.constant 0 : i32
      %dma_start3A_435 = tpu.memref_slice %arg6[%dma_start3A_432, %dma_start3A_433, %dma_start3A_434] : memref<3x2x128xi32, #tpu.memory_space<vmem>> -> memref<1x2x128xi32, #tpu.memory_space<vmem>>
      %dma_start3A_436 = tpu.memref_squeeze %dma_start3A_435 : memref<1x2x128xi32, #tpu.memory_space<vmem>> -> memref<2x128xi32, #tpu.memory_space<vmem>>
      %dma_start3A_437 = arith.constant 0 : i32
      %dma_start3A_438 = tpu.memref_slice %arg3[%dma_start3A_437, %mul3A_431] : memref<2x320000xi32, #tpu.memory_space<hbm>> -> memref<2x128xi32, #tpu.memory_space<hbm>>
      %dma_start3A_439 = arith.constant 0 : i32
      %dma_start3A_440 = arith.constant 0 : i32
      %dma_start3A_441 = tpu.memref_slice %arg6[%dma_start3A_432, %dma_start3A_439, %dma_start3A_440] : memref<3x2x128xi32, #tpu.memory_space<vmem>> -> memref<1x2x128xi32, #tpu.memory_space<vmem>>
      %dma_start3A_442 = tpu.memref_squeeze %dma_start3A_441 : memref<1x2x128xi32, #tpu.memory_space<vmem>> -> memref<2x128xi32, #tpu.memory_space<vmem>>
      %dma_start3A_443 = arith.constant 0 : i32
      %dma_start3A_444 = tpu.memref_slice %arg3[%dma_start3A_443, %mul3A_431] : memref<2x320000xi32, #tpu.memory_space<hbm>> -> memref<2x128xi32, #tpu.memory_space<hbm>>
      tpu.enqueue_dma source(%dma_start3A_444 : memref<2x128xi32, #tpu.memory_space<hbm>>) target(%dma_start3A_442 : memref<2x128xi32, #tpu.memory_space<vmem>>) target_semaphore(%arg18 : memref<!tpu.dma_semaphore, #tpu.memory_space<semaphore_mem>>)
      %add3A_445 = arith.constant 3 : i32
      %add3A_446 = arith.addi %add3A_387, %add3A_445 : i32
      %mul3A_447 = arith.constant 128 : i32
      %mul3A_448 = arith.muli %add3A_446, %mul3A_447 : i32
      %dma_wait3A_449 = arith.constant 0 : i32
      %dma_wait3A_450 = arith.constant 1 : i32
      %dma_wait3A_451 = arith.constant 0 : i32
      %dma_wait3A_452 = tpu.memref_slice %arg5[%dma_wait3A_450, %dma_wait3A_451] : memref<3x128xi32, #tpu.memory_space<vmem>> -> memref<1x128xi32, #tpu.memory_space<vmem>>
      %dma_wait3A_453 = tpu.memref_squeeze %dma_wait3A_452 : memref<1x128xi32, #tpu.memory_space<vmem>> -> memref<128xi32, #tpu.memory_space<vmem>>
      %dma_wait3A_454 = tpu.memref_slice %arg3[%dma_wait3A_449, %mul3A_448] : memref<2x320000xi32, #tpu.memory_space<hbm>> -> memref<1x128xi32, #tpu.memory_space<hbm>>
      %dma_wait3A_455 = tpu.memref_squeeze %dma_wait3A_454 : memref<1x128xi32, #tpu.memory_space<hbm>> -> memref<128xi32, #tpu.memory_space<hbm>>
      %dma_wait3A_456 = arith.constant 0 : i32
      %dma_wait3A_457 = tpu.memref_slice %arg5[%dma_wait3A_450, %dma_wait3A_456] : memref<3x128xi32, #tpu.memory_space<vmem>> -> memref<1x128xi32, #tpu.memory_space<vmem>>
      %dma_wait3A_458 = tpu.memref_squeeze %dma_wait3A_457 : memref<1x128xi32, #tpu.memory_space<vmem>> -> memref<128xi32, #tpu.memory_space<vmem>>
      %dma_wait3A_459 = tpu.memref_slice %arg3[%dma_wait3A_449, %mul3A_448] : memref<2x320000xi32, #tpu.memory_space<hbm>> -> memref<1x128xi32, #tpu.memory_space<hbm>>
      %dma_wait3A_460 = tpu.memref_squeeze %dma_wait3A_459 : memref<1x128xi32, #tpu.memory_space<hbm>> -> memref<128xi32, #tpu.memory_space<hbm>>
      tpu.wait_dma2 semaphore(%arg15 : memref<!tpu.dma_semaphore, #tpu.memory_space<semaphore_mem>>) src(%dma_wait3A_460 : memref<128xi32, #tpu.memory_space<hbm>>) dst(%dma_wait3A_458 : memref<128xi32, #tpu.memory_space<vmem>>)
      %dma_start3A_461 = arith.constant 1 : i32
      %dma_start3A_462 = arith.constant 0 : i32
      %dma_start3A_463 = tpu.memref_slice %arg5[%dma_start3A_461, %dma_start3A_462] : memref<3x128xi32, #tpu.memory_space<vmem>> -> memref<1x128xi32, #tpu.memory_space<vmem>>
      %dma_start3A_464 = tpu.memref_squeeze %dma_start3A_463 : memref<1x128xi32, #tpu.memory_space<vmem>> -> memref<128xi32, #tpu.memory_space<vmem>>
      %dma_start3A_465 = arith.constant 0 : i32
      %dma_start3A_466 = arith.constant 0 : i32
      %dma_start3A_467 = tpu.memref_slice %arg2[%dma_start3A_465, %dma_start3A_466] : memref<10000x128xf32, #tpu.memory_space<hbm>> -> memref<10000x128xf32, #tpu.memory_space<hbm>>
      tpu.enqueue_indirect_dma source(%dma_start3A_467 : memref<10000x128xf32, #tpu.memory_space<hbm>>) target(%arg8 : memref<128x128xf32, #tpu.memory_space<vmem>>) offsets(%dma_start3A_464 : memref<128xi32, #tpu.memory_space<vmem>>) semaphore(%arg12 : memref<!tpu.dma_semaphore, #tpu.memory_space<semaphore_mem>>)
      %add3A_468 = arith.addi %add3A_4, %mul3A_301 : i32
      %add3A_469 = arith.constant 2 : i32
      %add3A_470 = arith.addi %add3A_468, %add3A_469 : i32
      %dma_wait3A_471 = arith.constant 2 : i32
      %dma_wait3A_472 = arith.constant 0 : i32
      %dma_wait3A_473 = tpu.memref_slice %arg5[%dma_wait3A_471, %dma_wait3A_472] : memref<3x128xi32, #tpu.memory_space<vmem>> -> memref<1x128xi32, #tpu.memory_space<vmem>>
      %dma_wait3A_474 = tpu.memref_squeeze %dma_wait3A_473 : memref<1x128xi32, #tpu.memory_space<vmem>> -> memref<128xi32, #tpu.memory_space<vmem>>
      %dma_wait3A_475 = arith.constant 0 : i32
      %dma_wait3A_476 = arith.constant 0 : i32
      %dma_wait3A_477 = tpu.memref_slice %arg2[%dma_wait3A_475, %dma_wait3A_476] : memref<10000x128xf32, #tpu.memory_space<hbm>> -> memref<10000x128xf32, #tpu.memory_space<hbm>>
      tpu.wait_indirect_dma semaphore(%arg13 : memref<!tpu.dma_semaphore, #tpu.memory_space<semaphore_mem>>) src(%dma_wait3A_477 : memref<10000x128xf32, #tpu.memory_space<hbm>>) dst(%arg9 : memref<128x128xf32, #tpu.memory_space<vmem>>)
      %add3A_478 = arith.constant 3 : i32
      %add3A_479 = arith.addi %add3A_470, %add3A_478 : i32
      %mul3A_480 = arith.constant 128 : i32
      %mul3A_481 = arith.muli %add3A_479, %mul3A_480 : i32
      %dma_start3A_482 = arith.constant 0 : i32
      %dma_start3A_483 = arith.constant 2 : i32
      %dma_start3A_484 = arith.constant 0 : i32
      %dma_start3A_485 = tpu.memref_slice %arg5[%dma_start3A_483, %dma_start3A_484] : memref<3x128xi32, #tpu.memory_space<vmem>> -> memref<1x128xi32, #tpu.memory_space<vmem>>
      %dma_start3A_486 = tpu.memref_squeeze %dma_start3A_485 : memref<1x128xi32, #tpu.memory_space<vmem>> -> memref<128xi32, #tpu.memory_space<vmem>>
      %dma_start3A_487 = tpu.memref_slice %arg3[%dma_start3A_482, %mul3A_481] : memref<2x320000xi32, #tpu.memory_space<hbm>> -> memref<1x128xi32, #tpu.memory_space<hbm>>
      %dma_start3A_488 = tpu.memref_squeeze %dma_start3A_487 : memref<1x128xi32, #tpu.memory_space<hbm>> -> memref<128xi32, #tpu.memory_space<hbm>>
      %dma_start3A_489 = arith.constant 0 : i32
      %dma_start3A_490 = tpu.memref_slice %arg5[%dma_start3A_483, %dma_start3A_489] : memref<3x128xi32, #tpu.memory_space<vmem>> -> memref<1x128xi32, #tpu.memory_space<vmem>>
      %dma_start3A_491 = tpu.memref_squeeze %dma_start3A_490 : memref<1x128xi32, #tpu.memory_space<vmem>> -> memref<128xi32, #tpu.memory_space<vmem>>
      %dma_start3A_492 = tpu.memref_slice %arg3[%dma_start3A_482, %mul3A_481] : memref<2x320000xi32, #tpu.memory_space<hbm>> -> memref<1x128xi32, #tpu.memory_space<hbm>>
      %dma_start3A_493 = tpu.memref_squeeze %dma_start3A_492 : memref<1x128xi32, #tpu.memory_space<hbm>> -> memref<128xi32, #tpu.memory_space<hbm>>
      tpu.enqueue_dma source(%dma_start3A_493 : memref<128xi32, #tpu.memory_space<hbm>>) target(%dma_start3A_491 : memref<128xi32, #tpu.memory_space<vmem>>) target_semaphore(%arg16 : memref<!tpu.dma_semaphore, #tpu.memory_space<semaphore_mem>>)
      %mul3A_494 = arith.constant 128 : i32
      %mul3A_495 = arith.muli %add3A_470, %mul3A_494 : i32
      %dma_wait3A_496 = arith.constant 2 : i32
      %dma_wait3A_497 = arith.constant 0 : i32
      %dma_wait3A_498 = arith.constant 0 : i32
      %dma_wait3A_499 = tpu.memref_slice %arg6[%dma_wait3A_496, %dma_wait3A_497, %dma_wait3A_498] : memref<3x2x128xi32, #tpu.memory_space<vmem>> -> memref<1x2x128xi32, #tpu.memory_space<vmem>>
      %dma_wait3A_500 = tpu.memref_squeeze %dma_wait3A_499 : memref<1x2x128xi32, #tpu.memory_space<vmem>> -> memref<2x128xi32, #tpu.memory_space<vmem>>
      %dma_wait3A_501 = arith.constant 0 : i32
      %dma_wait3A_502 = tpu.memref_slice %arg3[%dma_wait3A_501, %mul3A_495] : memref<2x320000xi32, #tpu.memory_space<hbm>> -> memref<2x128xi32, #tpu.memory_space<hbm>>
      %dma_wait3A_503 = arith.constant 0 : i32
      %dma_wait3A_504 = arith.constant 0 : i32
      %dma_wait3A_505 = tpu.memref_slice %arg6[%dma_wait3A_496, %dma_wait3A_503, %dma_wait3A_504] : memref<3x2x128xi32, #tpu.memory_space<vmem>> -> memref<1x2x128xi32, #tpu.memory_space<vmem>>
      %dma_wait3A_506 = tpu.memref_squeeze %dma_wait3A_505 : memref<1x2x128xi32, #tpu.memory_space<vmem>> -> memref<2x128xi32, #tpu.memory_space<vmem>>
      %dma_wait3A_507 = arith.constant 0 : i32
      %dma_wait3A_508 = tpu.memref_slice %arg3[%dma_wait3A_507, %mul3A_495] : memref<2x320000xi32, #tpu.memory_space<hbm>> -> memref<2x128xi32, #tpu.memory_space<hbm>>
      tpu.wait_dma2 semaphore(%arg19 : memref<!tpu.dma_semaphore, #tpu.memory_space<semaphore_mem>>) src(%dma_wait3A_508 : memref<2x128xi32, #tpu.memory_space<hbm>>) dst(%dma_wait3A_506 : memref<2x128xi32, #tpu.memory_space<vmem>>)
      %run_scoped3A_509 = arith.constant 2 : i32
      %run_scoped3A_510 = arith.constant 1 : i32
      "tpu.region"() ({
        %run_scoped3A_552 = tpu.sem_alloc : memref<!tpu.dma_semaphore, #tpu.memory_space<semaphore_mem>>
        %dma_start3A_553 = arith.constant 0 : i32
        %dma_start3A_554 = tpu.memref_slice %arg6[%run_scoped3A_509, %run_scoped3A_510, %dma_start3A_553] : memref<3x2x128xi32, #tpu.memory_space<vmem>> -> memref<1x1x128xi32, #tpu.memory_space<vmem>>
        %dma_start3A_555 = tpu.memref_squeeze %dma_start3A_554 : memref<1x1x128xi32, #tpu.memory_space<vmem>> -> memref<128xi32, #tpu.memory_space<vmem>>
        %dma_start3A_556 = arith.constant 0 : i32
        %dma_start3A_557 = arith.constant 0 : i32
        %dma_start3A_558 = tpu.memref_slice %arg10[%dma_start3A_556, %dma_start3A_557] : memref<10000x128xf32, #tpu.memory_space<vmem_shared>> -> memref<10000x128xf32, #tpu.memory_space<vmem_shared>>
        tpu.enqueue_indirect_dma source(%arg9 : memref<128x128xf32, #tpu.memory_space<vmem>>) target(%dma_start3A_558 : memref<10000x128xf32, #tpu.memory_space<vmem_shared>>) offsets(%dma_start3A_555 : memref<128xi32, #tpu.memory_space<vmem>>) semaphore(%run_scoped3A_552 : memref<!tpu.dma_semaphore, #tpu.memory_space<semaphore_mem>>) {add = true}
        %dma_wait3A_559 = arith.constant 0 : i32
        %dma_wait3A_560 = tpu.memref_slice %arg6[%run_scoped3A_509, %run_scoped3A_510, %dma_wait3A_559] : memref<3x2x128xi32, #tpu.memory_space<vmem>> -> memref<1x1x128xi32, #tpu.memory_space<vmem>>
        %dma_wait3A_561 = tpu.memref_squeeze %dma_wait3A_560 : memref<1x1x128xi32, #tpu.memory_space<vmem>> -> memref<128xi32, #tpu.memory_space<vmem>>
        %dma_wait3A_562 = arith.constant 0 : i32
        %dma_wait3A_563 = arith.constant 0 : i32
        %dma_wait3A_564 = tpu.memref_slice %arg10[%dma_wait3A_562, %dma_wait3A_563] : memref<10000x128xf32, #tpu.memory_space<vmem_shared>> -> memref<10000x128xf32, #tpu.memory_space<vmem_shared>>
        tpu.wait_indirect_dma semaphore(%run_scoped3A_552 : memref<!tpu.dma_semaphore, #tpu.memory_space<semaphore_mem>>) src(%arg9 : memref<128x128xf32, #tpu.memory_space<vmem>>) dst(%dma_wait3A_564 : memref<10000x128xf32, #tpu.memory_space<vmem_shared>>)
        tpu.yield
      }) : () -> ()
      %add3A_511 = arith.constant 3 : i32
      %add3A_512 = arith.addi %add3A_470, %add3A_511 : i32
      %mul3A_513 = arith.constant 128 : i32
      %mul3A_514 = arith.muli %add3A_512, %mul3A_513 : i32
      %dma_start3A_515 = arith.constant 2 : i32
      %dma_start3A_516 = arith.constant 0 : i32
      %dma_start3A_517 = arith.constant 0 : i32
      %dma_start3A_518 = tpu.memref_slice %arg6[%dma_start3A_515, %dma_start3A_516, %dma_start3A_517] : memref<3x2x128xi32, #tpu.memory_space<vmem>> -> memref<1x2x128xi32, #tpu.memory_space<vmem>>
      %dma_start3A_519 = tpu.memref_squeeze %dma_start3A_518 : memref<1x2x128xi32, #tpu.memory_space<vmem>> -> memref<2x128xi32, #tpu.memory_space<vmem>>
      %dma_start3A_520 = arith.constant 0 : i32
      %dma_start3A_521 = tpu.memref_slice %arg3[%dma_start3A_520, %mul3A_514] : memref<2x320000xi32, #tpu.memory_space<hbm>> -> memref<2x128xi32, #tpu.memory_space<hbm>>
      %dma_start3A_522 = arith.constant 0 : i32
      %dma_start3A_523 = arith.constant 0 : i32
      %dma_start3A_524 = tpu.memref_slice %arg6[%dma_start3A_515, %dma_start3A_522, %dma_start3A_523] : memref<3x2x128xi32, #tpu.memory_space<vmem>> -> memref<1x2x128xi32, #tpu.memory_space<vmem>>
      %dma_start3A_525 = tpu.memref_squeeze %dma_start3A_524 : memref<1x2x128xi32, #tpu.memory_space<vmem>> -> memref<2x128xi32, #tpu.memory_space<vmem>>
      %dma_start3A_526 = arith.constant 0 : i32
      %dma_start3A_527 = tpu.memref_slice %arg3[%dma_start3A_526, %mul3A_514] : memref<2x320000xi32, #tpu.memory_space<hbm>> -> memref<2x128xi32, #tpu.memory_space<hbm>>
      tpu.enqueue_dma source(%dma_start3A_527 : memref<2x128xi32, #tpu.memory_space<hbm>>) target(%dma_start3A_525 : memref<2x128xi32, #tpu.memory_space<vmem>>) target_semaphore(%arg19 : memref<!tpu.dma_semaphore, #tpu.memory_space<semaphore_mem>>)
      %add3A_528 = arith.constant 3 : i32
      %add3A_529 = arith.addi %add3A_470, %add3A_528 : i32
      %mul3A_530 = arith.constant 128 : i32
      %mul3A_531 = arith.muli %add3A_529, %mul3A_530 : i32
      %dma_wait3A_532 = arith.constant 0 : i32
      %dma_wait3A_533 = arith.constant 2 : i32
      %dma_wait3A_534 = arith.constant 0 : i32
      %dma_wait3A_535 = tpu.memref_slice %arg5[%dma_wait3A_533, %dma_wait3A_534] : memref<3x128xi32, #tpu.memory_space<vmem>> -> memref<1x128xi32, #tpu.memory_space<vmem>>
      %dma_wait3A_536 = tpu.memref_squeeze %dma_wait3A_535 : memref<1x128xi32, #tpu.memory_space<vmem>> -> memref<128xi32, #tpu.memory_space<vmem>>
      %dma_wait3A_537 = tpu.memref_slice %arg3[%dma_wait3A_532, %mul3A_531] : memref<2x320000xi32, #tpu.memory_space<hbm>> -> memref<1x128xi32, #tpu.memory_space<hbm>>
      %dma_wait3A_538 = tpu.memref_squeeze %dma_wait3A_537 : memref<1x128xi32, #tpu.memory_space<hbm>> -> memref<128xi32, #tpu.memory_space<hbm>>
      %dma_wait3A_539 = arith.constant 0 : i32
      %dma_wait3A_540 = tpu.memref_slice %arg5[%dma_wait3A_533, %dma_wait3A_539] : memref<3x128xi32, #tpu.memory_space<vmem>> -> memref<1x128xi32, #tpu.memory_space<vmem>>
      %dma_wait3A_541 = tpu.memref_squeeze %dma_wait3A_540 : memref<1x128xi32, #tpu.memory_space<vmem>> -> memref<128xi32, #tpu.memory_space<vmem>>
      %dma_wait3A_542 = tpu.memref_slice %arg3[%dma_wait3A_532, %mul3A_531] : memref<2x320000xi32, #tpu.memory_space<hbm>> -> memref<1x128xi32, #tpu.memory_space<hbm>>
      %dma_wait3A_543 = tpu.memref_squeeze %dma_wait3A_542 : memref<1x128xi32, #tpu.memory_space<hbm>> -> memref<128xi32, #tpu.memory_space<hbm>>
      tpu.wait_dma2 semaphore(%arg16 : memref<!tpu.dma_semaphore, #tpu.memory_space<semaphore_mem>>) src(%dma_wait3A_543 : memref<128xi32, #tpu.memory_space<hbm>>) dst(%dma_wait3A_541 : memref<128xi32, #tpu.memory_space<vmem>>)
      %dma_start3A_544 = arith.constant 2 : i32
      %dma_start3A_545 = arith.constant 0 : i32
      %dma_start3A_546 = tpu.memref_slice %arg5[%dma_start3A_544, %dma_start3A_545] : memref<3x128xi32, #tpu.memory_space<vmem>> -> memref<1x128xi32, #tpu.memory_space<vmem>>
      %dma_start3A_547 = tpu.memref_squeeze %dma_start3A_546 : memref<1x128xi32, #tpu.memory_space<vmem>> -> memref<128xi32, #tpu.memory_space<vmem>>
      %dma_start3A_548 = arith.constant 0 : i32
      %dma_start3A_549 = arith.constant 0 : i32
      %dma_start3A_550 = tpu.memref_slice %arg2[%dma_start3A_548, %dma_start3A_549] : memref<10000x128xf32, #tpu.memory_space<hbm>> -> memref<10000x128xf32, #tpu.memory_space<hbm>>
      tpu.enqueue_indirect_dma source(%dma_start3A_550 : memref<10000x128xf32, #tpu.memory_space<hbm>>) target(%arg9 : memref<128x128xf32, #tpu.memory_space<vmem>>) offsets(%dma_start3A_547 : memref<128xi32, #tpu.memory_space<vmem>>) semaphore(%arg13 : memref<!tpu.dma_semaphore, #tpu.memory_space<semaphore_mem>>)
      %scan3A_551 = arith.constant 0 : i32
      scf.yield %scan3A_551 : i32
    }
    %scan3A_199 = arith.constant 25 : i32
    %add3A_200 = arith.constant 78 : i32
    %add3A_201 = arith.addi %add3A_4, %add3A_200 : i32
    %sub3A = arith.constant 3 : i32
    %sub3A_202 = arith.subi %add3A_201, %sub3A : i32
    %dma_wait3A_203 = arith.constant 0 : i32
    %dma_wait3A_204 = arith.constant 0 : i32
    %dma_wait3A_205 = tpu.memref_slice %arg5[%dma_wait3A_203, %dma_wait3A_204] : memref<3x128xi32, #tpu.memory_space<vmem>> -> memref<1x128xi32, #tpu.memory_space<vmem>>
    %dma_wait3A_206 = tpu.memref_squeeze %dma_wait3A_205 : memref<1x128xi32, #tpu.memory_space<vmem>> -> memref<128xi32, #tpu.memory_space<vmem>>
    %dma_wait3A_207 = arith.constant 0 : i32
    %dma_wait3A_208 = arith.constant 0 : i32
    %dma_wait3A_209 = tpu.memref_slice %arg2[%dma_wait3A_207, %dma_wait3A_208] : memref<10000x128xf32, #tpu.memory_space<hbm>> -> memref<10000x128xf32, #tpu.memory_space<hbm>>
    tpu.wait_indirect_dma semaphore(%arg11 : memref<!tpu.dma_semaphore, #tpu.memory_space<semaphore_mem>>) src(%dma_wait3A_209 : memref<10000x128xf32, #tpu.memory_space<hbm>>) dst(%arg7 : memref<128x128xf32, #tpu.memory_space<vmem>>)
    %convert_element_type3A_210 = arith.extui %lt3A_5 : i1 to i32
    %cond3A_211 = arith.constant 0 : i32
    %cond3A_212 = arith.cmpi ne, %convert_element_type3A_210, %cond3A_211 : i32
    scf.if %cond3A_212 {
      %add3A_298 = arith.constant 78 : i32
      %add3A_299 = arith.addi %add3A_4, %add3A_298 : i32
      %mul3A_300 = arith.constant 128 : i32
      %mul3A_301 = arith.muli %add3A_299, %mul3A_300 : i32
      %dma_start3A_302 = arith.constant 0 : i32
      %dma_start3A_303 = arith.constant 0 : i32
      %dma_start3A_304 = arith.constant 0 : i32
      %dma_start3A_305 = tpu.memref_slice %arg5[%dma_start3A_303, %dma_start3A_304] : memref<3x128xi32, #tpu.memory_space<vmem>> -> memref<1x128xi32, #tpu.memory_space<vmem>>
      %dma_start3A_306 = tpu.memref_squeeze %dma_start3A_305 : memref<1x128xi32, #tpu.memory_space<vmem>> -> memref<128xi32, #tpu.memory_space<vmem>>
      %dma_start3A_307 = tpu.memref_slice %arg3[%dma_start3A_302, %mul3A_301] : memref<2x320000xi32, #tpu.memory_space<hbm>> -> memref<1x128xi32, #tpu.memory_space<hbm>>
      %dma_start3A_308 = tpu.memref_squeeze %dma_start3A_307 : memref<1x128xi32, #tpu.memory_space<hbm>> -> memref<128xi32, #tpu.memory_space<hbm>>
      %dma_start3A_309 = arith.constant 0 : i32
      %dma_start3A_310 = tpu.memref_slice %arg5[%dma_start3A_303, %dma_start3A_309] : memref<3x128xi32, #tpu.memory_space<vmem>> -> memref<1x128xi32, #tpu.memory_space<vmem>>
      %dma_start3A_311 = tpu.memref_squeeze %dma_start3A_310 : memref<1x128xi32, #tpu.memory_space<vmem>> -> memref<128xi32, #tpu.memory_space<vmem>>
      %dma_start3A_312 = tpu.memref_slice %arg3[%dma_start3A_302, %mul3A_301] : memref<2x320000xi32, #tpu.memory_space<hbm>> -> memref<1x128xi32, #tpu.memory_space<hbm>>
      %dma_start3A_313 = tpu.memref_squeeze %dma_start3A_312 : memref<1x128xi32, #tpu.memory_space<hbm>> -> memref<128xi32, #tpu.memory_space<hbm>>
      tpu.enqueue_dma source(%dma_start3A_313 : memref<128xi32, #tpu.memory_space<hbm>>) target(%dma_start3A_311 : memref<128xi32, #tpu.memory_space<vmem>>) target_semaphore(%arg14 : memref<!tpu.dma_semaphore, #tpu.memory_space<semaphore_mem>>)
    } else {
    }
    %mul3A_213 = arith.constant 128 : i32
    %mul3A_214 = arith.muli %sub3A_202, %mul3A_213 : i32
    %dma_wait3A_215 = arith.constant 0 : i32
    %dma_wait3A_216 = arith.constant 0 : i32
    %dma_wait3A_217 = arith.constant 0 : i32
    %dma_wait3A_218 = tpu.memref_slice %arg6[%dma_wait3A_215, %dma_wait3A_216, %dma_wait3A_217] : memref<3x2x128xi32, #tpu.memory_space<vmem>> -> memref<1x2x128xi32, #tpu.memory_space<vmem>>
    %dma_wait3A_219 = tpu.memref_squeeze %dma_wait3A_218 : memref<1x2x128xi32, #tpu.memory_space<vmem>> -> memref<2x128xi32, #tpu.memory_space<vmem>>
    %dma_wait3A_220 = arith.constant 0 : i32
    %dma_wait3A_221 = tpu.memref_slice %arg3[%dma_wait3A_220, %mul3A_214] : memref<2x320000xi32, #tpu.memory_space<hbm>> -> memref<2x128xi32, #tpu.memory_space<hbm>>
    %dma_wait3A_222 = arith.constant 0 : i32
    %dma_wait3A_223 = arith.constant 0 : i32
    %dma_wait3A_224 = tpu.memref_slice %arg6[%dma_wait3A_215, %dma_wait3A_222, %dma_wait3A_223] : memref<3x2x128xi32, #tpu.memory_space<vmem>> -> memref<1x2x128xi32, #tpu.memory_space<vmem>>
    %dma_wait3A_225 = tpu.memref_squeeze %dma_wait3A_224 : memref<1x2x128xi32, #tpu.memory_space<vmem>> -> memref<2x128xi32, #tpu.memory_space<vmem>>
    %dma_wait3A_226 = arith.constant 0 : i32
    %dma_wait3A_227 = tpu.memref_slice %arg3[%dma_wait3A_226, %mul3A_214] : memref<2x320000xi32, #tpu.memory_space<hbm>> -> memref<2x128xi32, #tpu.memory_space<hbm>>
    tpu.wait_dma2 semaphore(%arg17 : memref<!tpu.dma_semaphore, #tpu.memory_space<semaphore_mem>>) src(%dma_wait3A_227 : memref<2x128xi32, #tpu.memory_space<hbm>>) dst(%dma_wait3A_225 : memref<2x128xi32, #tpu.memory_space<vmem>>)
    %run_scoped3A = arith.constant 0 : i32
    %run_scoped3A_228 = arith.constant 1 : i32
    "tpu.region"() ({
      %run_scoped3A_298 = tpu.sem_alloc : memref<!tpu.dma_semaphore, #tpu.memory_space<semaphore_mem>>
      %dma_start3A_299 = arith.constant 0 : i32
      %dma_start3A_300 = tpu.memref_slice %arg6[%run_scoped3A, %run_scoped3A_228, %dma_start3A_299] : memref<3x2x128xi32, #tpu.memory_space<vmem>> -> memref<1x1x128xi32, #tpu.memory_space<vmem>>
      %dma_start3A_301 = tpu.memref_squeeze %dma_start3A_300 : memref<1x1x128xi32, #tpu.memory_space<vmem>> -> memref<128xi32, #tpu.memory_space<vmem>>
      %dma_start3A_302 = arith.constant 0 : i32
      %dma_start3A_303 = arith.constant 0 : i32
      %dma_start3A_304 = tpu.memref_slice %arg10[%dma_start3A_302, %dma_start3A_303] : memref<10000x128xf32, #tpu.memory_space<vmem_shared>> -> memref<10000x128xf32, #tpu.memory_space<vmem_shared>>
      tpu.enqueue_indirect_dma source(%arg7 : memref<128x128xf32, #tpu.memory_space<vmem>>) target(%dma_start3A_304 : memref<10000x128xf32, #tpu.memory_space<vmem_shared>>) offsets(%dma_start3A_301 : memref<128xi32, #tpu.memory_space<vmem>>) semaphore(%run_scoped3A_298 : memref<!tpu.dma_semaphore, #tpu.memory_space<semaphore_mem>>) {add = true}
      %dma_wait3A_305 = arith.constant 0 : i32
      %dma_wait3A_306 = tpu.memref_slice %arg6[%run_scoped3A, %run_scoped3A_228, %dma_wait3A_305] : memref<3x2x128xi32, #tpu.memory_space<vmem>> -> memref<1x1x128xi32, #tpu.memory_space<vmem>>
      %dma_wait3A_307 = tpu.memref_squeeze %dma_wait3A_306 : memref<1x1x128xi32, #tpu.memory_space<vmem>> -> memref<128xi32, #tpu.memory_space<vmem>>
      %dma_wait3A_308 = arith.constant 0 : i32
      %dma_wait3A_309 = arith.constant 0 : i32
      %dma_wait3A_310 = tpu.memref_slice %arg10[%dma_wait3A_308, %dma_wait3A_309] : memref<10000x128xf32, #tpu.memory_space<vmem_shared>> -> memref<10000x128xf32, #tpu.memory_space<vmem_shared>>
      tpu.wait_indirect_dma semaphore(%run_scoped3A_298 : memref<!tpu.dma_semaphore, #tpu.memory_space<semaphore_mem>>) src(%arg7 : memref<128x128xf32, #tpu.memory_space<vmem>>) dst(%dma_wait3A_310 : memref<10000x128xf32, #tpu.memory_space<vmem_shared>>)
      tpu.yield
    }) : () -> ()
    %convert_element_type3A_229 = arith.extui %lt3A_5 : i1 to i32
    %cond3A_230 = arith.constant 0 : i32
    %cond3A_231 = arith.cmpi ne, %convert_element_type3A_229, %cond3A_230 : i32
    scf.if %cond3A_231 {
      %add3A_298 = arith.constant 78 : i32
      %add3A_299 = arith.addi %add3A_4, %add3A_298 : i32
      %mul3A_300 = arith.constant 128 : i32
      %mul3A_301 = arith.muli %add3A_299, %mul3A_300 : i32
      %dma_start3A_302 = arith.constant 0 : i32
      %dma_start3A_303 = arith.constant 0 : i32
      %dma_start3A_304 = arith.constant 0 : i32
      %dma_start3A_305 = tpu.memref_slice %arg6[%dma_start3A_302, %dma_start3A_303, %dma_start3A_304] : memref<3x2x128xi32, #tpu.memory_space<vmem>> -> memref<1x2x128xi32, #tpu.memory_space<vmem>>
      %dma_start3A_306 = tpu.memref_squeeze %dma_start3A_305 : memref<1x2x128xi32, #tpu.memory_space<vmem>> -> memref<2x128xi32, #tpu.memory_space<vmem>>
      %dma_start3A_307 = arith.constant 0 : i32
      %dma_start3A_308 = tpu.memref_slice %arg3[%dma_start3A_307, %mul3A_301] : memref<2x320000xi32, #tpu.memory_space<hbm>> -> memref<2x128xi32, #tpu.memory_space<hbm>>
      %dma_start3A_309 = arith.constant 0 : i32
      %dma_start3A_310 = arith.constant 0 : i32
      %dma_start3A_311 = tpu.memref_slice %arg6[%dma_start3A_302, %dma_start3A_309, %dma_start3A_310] : memref<3x2x128xi32, #tpu.memory_space<vmem>> -> memref<1x2x128xi32, #tpu.memory_space<vmem>>
      %dma_start3A_312 = tpu.memref_squeeze %dma_start3A_311 : memref<1x2x128xi32, #tpu.memory_space<vmem>> -> memref<2x128xi32, #tpu.memory_space<vmem>>
      %dma_start3A_313 = arith.constant 0 : i32
      %dma_start3A_314 = tpu.memref_slice %arg3[%dma_start3A_313, %mul3A_301] : memref<2x320000xi32, #tpu.memory_space<hbm>> -> memref<2x128xi32, #tpu.memory_space<hbm>>
      tpu.enqueue_dma source(%dma_start3A_314 : memref<2x128xi32, #tpu.memory_space<hbm>>) target(%dma_start3A_312 : memref<2x128xi32, #tpu.memory_space<vmem>>) target_semaphore(%arg17 : memref<!tpu.dma_semaphore, #tpu.memory_space<semaphore_mem>>)
      %add3A_315 = arith.constant 78 : i32
      %add3A_316 = arith.addi %add3A_4, %add3A_315 : i32
      %mul3A_317 = arith.constant 128 : i32
      %mul3A_318 = arith.muli %add3A_316, %mul3A_317 : i32
      %dma_wait3A_319 = arith.constant 0 : i32
      %dma_wait3A_320 = arith.constant 0 : i32
      %dma_wait3A_321 = arith.constant 0 : i32
      %dma_wait3A_322 = tpu.memref_slice %arg5[%dma_wait3A_320, %dma_wait3A_321] : memref<3x128xi32, #tpu.memory_space<vmem>> -> memref<1x128xi32, #tpu.memory_space<vmem>>
      %dma_wait3A_323 = tpu.memref_squeeze %dma_wait3A_322 : memref<1x128xi32, #tpu.memory_space<vmem>> -> memref<128xi32, #tpu.memory_space<vmem>>
      %dma_wait3A_324 = tpu.memref_slice %arg3[%dma_wait3A_319, %mul3A_318] : memref<2x320000xi32, #tpu.memory_space<hbm>> -> memref<1x128xi32, #tpu.memory_space<hbm>>
      %dma_wait3A_325 = tpu.memref_squeeze %dma_wait3A_324 : memref<1x128xi32, #tpu.memory_space<hbm>> -> memref<128xi32, #tpu.memory_space<hbm>>
      %dma_wait3A_326 = arith.constant 0 : i32
      %dma_wait3A_327 = tpu.memref_slice %arg5[%dma_wait3A_320, %dma_wait3A_326] : memref<3x128xi32, #tpu.memory_space<vmem>> -> memref<1x128xi32, #tpu.memory_space<vmem>>
      %dma_wait3A_328 = tpu.memref_squeeze %dma_wait3A_327 : memref<1x128xi32, #tpu.memory_space<vmem>> -> memref<128xi32, #tpu.memory_space<vmem>>
      %dma_wait3A_329 = tpu.memref_slice %arg3[%dma_wait3A_319, %mul3A_318] : memref<2x320000xi32, #tpu.memory_space<hbm>> -> memref<1x128xi32, #tpu.memory_space<hbm>>
      %dma_wait3A_330 = tpu.memref_squeeze %dma_wait3A_329 : memref<1x128xi32, #tpu.memory_space<hbm>> -> memref<128xi32, #tpu.memory_space<hbm>>
      tpu.wait_dma2 semaphore(%arg14 : memref<!tpu.dma_semaphore, #tpu.memory_space<semaphore_mem>>) src(%dma_wait3A_330 : memref<128xi32, #tpu.memory_space<hbm>>) dst(%dma_wait3A_328 : memref<128xi32, #tpu.memory_space<vmem>>)
      %dma_start3A_331 = arith.constant 0 : i32
      %dma_start3A_332 = arith.constant 0 : i32
      %dma_start3A_333 = tpu.memref_slice %arg5[%dma_start3A_331, %dma_start3A_332] : memref<3x128xi32, #tpu.memory_space<vmem>> -> memref<1x128xi32, #tpu.memory_space<vmem>>
      %dma_start3A_334 = tpu.memref_squeeze %dma_start3A_333 : memref<1x128xi32, #tpu.memory_space<vmem>> -> memref<128xi32, #tpu.memory_space<vmem>>
      %dma_start3A_335 = arith.constant 0 : i32
      %dma_start3A_336 = arith.constant 0 : i32
      %dma_start3A_337 = tpu.memref_slice %arg2[%dma_start3A_335, %dma_start3A_336] : memref<10000x128xf32, #tpu.memory_space<hbm>> -> memref<10000x128xf32, #tpu.memory_space<hbm>>
      tpu.enqueue_indirect_dma source(%dma_start3A_337 : memref<10000x128xf32, #tpu.memory_space<hbm>>) target(%arg7 : memref<128x128xf32, #tpu.memory_space<vmem>>) offsets(%dma_start3A_334 : memref<128xi32, #tpu.memory_space<vmem>>) semaphore(%arg11 : memref<!tpu.dma_semaphore, #tpu.memory_space<semaphore_mem>>)
    } else {
    }
    %dma_wait3A_232 = arith.constant 1 : i32
    %dma_wait3A_233 = arith.constant 0 : i32
    %dma_wait3A_234 = tpu.memref_slice %arg5[%dma_wait3A_232, %dma_wait3A_233] : memref<3x128xi32, #tpu.memory_space<vmem>> -> memref<1x128xi32, #tpu.memory_space<vmem>>
    %dma_wait3A_235 = tpu.memref_squeeze %dma_wait3A_234 : memref<1x128xi32, #tpu.memory_space<vmem>> -> memref<128xi32, #tpu.memory_space<vmem>>
    %dma_wait3A_236 = arith.constant 0 : i32
    %dma_wait3A_237 = arith.constant 0 : i32
    %dma_wait3A_238 = tpu.memref_slice %arg2[%dma_wait3A_236, %dma_wait3A_237] : memref<10000x128xf32, #tpu.memory_space<hbm>> -> memref<10000x128xf32, #tpu.memory_space<hbm>>
    tpu.wait_indirect_dma semaphore(%arg12 : memref<!tpu.dma_semaphore, #tpu.memory_space<semaphore_mem>>) src(%dma_wait3A_238 : memref<10000x128xf32, #tpu.memory_space<hbm>>) dst(%arg8 : memref<128x128xf32, #tpu.memory_space<vmem>>)
    %add3A_239 = arith.constant 1 : i32
    %add3A_240 = arith.addi %sub3A_202, %add3A_239 : i32
    %mul3A_241 = arith.constant 128 : i32
    %mul3A_242 = arith.muli %add3A_240, %mul3A_241 : i32
    %dma_wait3A_243 = arith.constant 1 : i32
    %dma_wait3A_244 = arith.constant 0 : i32
    %dma_wait3A_245 = arith.constant 0 : i32
    %dma_wait3A_246 = tpu.memref_slice %arg6[%dma_wait3A_243, %dma_wait3A_244, %dma_wait3A_245] : memref<3x2x128xi32, #tpu.memory_space<vmem>> -> memref<1x2x128xi32, #tpu.memory_space<vmem>>
    %dma_wait3A_247 = tpu.memref_squeeze %dma_wait3A_246 : memref<1x2x128xi32, #tpu.memory_space<vmem>> -> memref<2x128xi32, #tpu.memory_space<vmem>>
    %dma_wait3A_248 = arith.constant 0 : i32
    %dma_wait3A_249 = tpu.memref_slice %arg3[%dma_wait3A_248, %mul3A_242] : memref<2x320000xi32, #tpu.memory_space<hbm>> -> memref<2x128xi32, #tpu.memory_space<hbm>>
    %dma_wait3A_250 = arith.constant 0 : i32
    %dma_wait3A_251 = arith.constant 0 : i32
    %dma_wait3A_252 = tpu.memref_slice %arg6[%dma_wait3A_243, %dma_wait3A_250, %dma_wait3A_251] : memref<3x2x128xi32, #tpu.memory_space<vmem>> -> memref<1x2x128xi32, #tpu.memory_space<vmem>>
    %dma_wait3A_253 = tpu.memref_squeeze %dma_wait3A_252 : memref<1x2x128xi32, #tpu.memory_space<vmem>> -> memref<2x128xi32, #tpu.memory_space<vmem>>
    %dma_wait3A_254 = arith.constant 0 : i32
    %dma_wait3A_255 = tpu.memref_slice %arg3[%dma_wait3A_254, %mul3A_242] : memref<2x320000xi32, #tpu.memory_space<hbm>> -> memref<2x128xi32, #tpu.memory_space<hbm>>
    tpu.wait_dma2 semaphore(%arg18 : memref<!tpu.dma_semaphore, #tpu.memory_space<semaphore_mem>>) src(%dma_wait3A_255 : memref<2x128xi32, #tpu.memory_space<hbm>>) dst(%dma_wait3A_253 : memref<2x128xi32, #tpu.memory_space<vmem>>)
    %run_scoped3A_256 = arith.constant 1 : i32
    %run_scoped3A_257 = arith.constant 1 : i32
    "tpu.region"() ({
      %run_scoped3A_298 = tpu.sem_alloc : memref<!tpu.dma_semaphore, #tpu.memory_space<semaphore_mem>>
      %dma_start3A_299 = arith.constant 0 : i32
      %dma_start3A_300 = tpu.memref_slice %arg6[%run_scoped3A_256, %run_scoped3A_257, %dma_start3A_299] : memref<3x2x128xi32, #tpu.memory_space<vmem>> -> memref<1x1x128xi32, #tpu.memory_space<vmem>>
      %dma_start3A_301 = tpu.memref_squeeze %dma_start3A_300 : memref<1x1x128xi32, #tpu.memory_space<vmem>> -> memref<128xi32, #tpu.memory_space<vmem>>
      %dma_start3A_302 = arith.constant 0 : i32
      %dma_start3A_303 = arith.constant 0 : i32
      %dma_start3A_304 = tpu.memref_slice %arg10[%dma_start3A_302, %dma_start3A_303] : memref<10000x128xf32, #tpu.memory_space<vmem_shared>> -> memref<10000x128xf32, #tpu.memory_space<vmem_shared>>
      tpu.enqueue_indirect_dma source(%arg8 : memref<128x128xf32, #tpu.memory_space<vmem>>) target(%dma_start3A_304 : memref<10000x128xf32, #tpu.memory_space<vmem_shared>>) offsets(%dma_start3A_301 : memref<128xi32, #tpu.memory_space<vmem>>) semaphore(%run_scoped3A_298 : memref<!tpu.dma_semaphore, #tpu.memory_space<semaphore_mem>>) {add = true}
      %dma_wait3A_305 = arith.constant 0 : i32
      %dma_wait3A_306 = tpu.memref_slice %arg6[%run_scoped3A_256, %run_scoped3A_257, %dma_wait3A_305] : memref<3x2x128xi32, #tpu.memory_space<vmem>> -> memref<1x1x128xi32, #tpu.memory_space<vmem>>
      %dma_wait3A_307 = tpu.memref_squeeze %dma_wait3A_306 : memref<1x1x128xi32, #tpu.memory_space<vmem>> -> memref<128xi32, #tpu.memory_space<vmem>>
      %dma_wait3A_308 = arith.constant 0 : i32
      %dma_wait3A_309 = arith.constant 0 : i32
      %dma_wait3A_310 = tpu.memref_slice %arg10[%dma_wait3A_308, %dma_wait3A_309] : memref<10000x128xf32, #tpu.memory_space<vmem_shared>> -> memref<10000x128xf32, #tpu.memory_space<vmem_shared>>
      tpu.wait_indirect_dma semaphore(%run_scoped3A_298 : memref<!tpu.dma_semaphore, #tpu.memory_space<semaphore_mem>>) src(%arg8 : memref<128x128xf32, #tpu.memory_space<vmem>>) dst(%dma_wait3A_310 : memref<10000x128xf32, #tpu.memory_space<vmem_shared>>)
      tpu.yield
    }) : () -> ()
    %dma_wait3A_258 = arith.constant 2 : i32
    %dma_wait3A_259 = arith.constant 0 : i32
    %dma_wait3A_260 = tpu.memref_slice %arg5[%dma_wait3A_258, %dma_wait3A_259] : memref<3x128xi32, #tpu.memory_space<vmem>> -> memref<1x128xi32, #tpu.memory_space<vmem>>
    %dma_wait3A_261 = tpu.memref_squeeze %dma_wait3A_260 : memref<1x128xi32, #tpu.memory_space<vmem>> -> memref<128xi32, #tpu.memory_space<vmem>>
    %dma_wait3A_262 = arith.constant 0 : i32
    %dma_wait3A_263 = arith.constant 0 : i32
    %dma_wait3A_264 = tpu.memref_slice %arg2[%dma_wait3A_262, %dma_wait3A_263] : memref<10000x128xf32, #tpu.memory_space<hbm>> -> memref<10000x128xf32, #tpu.memory_space<hbm>>
    tpu.wait_indirect_dma semaphore(%arg13 : memref<!tpu.dma_semaphore, #tpu.memory_space<semaphore_mem>>) src(%dma_wait3A_264 : memref<10000x128xf32, #tpu.memory_space<hbm>>) dst(%arg9 : memref<128x128xf32, #tpu.memory_space<vmem>>)
    %add3A_265 = arith.constant 2 : i32
    %add3A_266 = arith.addi %sub3A_202, %add3A_265 : i32
    %mul3A_267 = arith.constant 128 : i32
    %mul3A_268 = arith.muli %add3A_266, %mul3A_267 : i32
    %dma_wait3A_269 = arith.constant 2 : i32
    %dma_wait3A_270 = arith.constant 0 : i32
    %dma_wait3A_271 = arith.constant 0 : i32
    %dma_wait3A_272 = tpu.memref_slice %arg6[%dma_wait3A_269, %dma_wait3A_270, %dma_wait3A_271] : memref<3x2x128xi32, #tpu.memory_space<vmem>> -> memref<1x2x128xi32, #tpu.memory_space<vmem>>
    %dma_wait3A_273 = tpu.memref_squeeze %dma_wait3A_272 : memref<1x2x128xi32, #tpu.memory_space<vmem>> -> memref<2x128xi32, #tpu.memory_space<vmem>>
    %dma_wait3A_274 = arith.constant 0 : i32
    %dma_wait3A_275 = tpu.memref_slice %arg3[%dma_wait3A_274, %mul3A_268] : memref<2x320000xi32, #tpu.memory_space<hbm>> -> memref<2x128xi32, #tpu.memory_space<hbm>>
    %dma_wait3A_276 = arith.constant 0 : i32
    %dma_wait3A_277 = arith.constant 0 : i32
    %dma_wait3A_278 = tpu.memref_slice %arg6[%dma_wait3A_269, %dma_wait3A_276, %dma_wait3A_277] : memref<3x2x128xi32, #tpu.memory_space<vmem>> -> memref<1x2x128xi32, #tpu.memory_space<vmem>>
    %dma_wait3A_279 = tpu.memref_squeeze %dma_wait3A_278 : memref<1x2x128xi32, #tpu.memory_space<vmem>> -> memref<2x128xi32, #tpu.memory_space<vmem>>
    %dma_wait3A_280 = arith.constant 0 : i32
    %dma_wait3A_281 = tpu.memref_slice %arg3[%dma_wait3A_280, %mul3A_268] : memref<2x320000xi32, #tpu.memory_space<hbm>> -> memref<2x128xi32, #tpu.memory_space<hbm>>
    tpu.wait_dma2 semaphore(%arg19 : memref<!tpu.dma_semaphore, #tpu.memory_space<semaphore_mem>>) src(%dma_wait3A_281 : memref<2x128xi32, #tpu.memory_space<hbm>>) dst(%dma_wait3A_279 : memref<2x128xi32, #tpu.memory_space<vmem>>)
    %run_scoped3A_282 = arith.constant 2 : i32
    %run_scoped3A_283 = arith.constant 1 : i32
    "tpu.region"() ({
      %run_scoped3A_298 = tpu.sem_alloc : memref<!tpu.dma_semaphore, #tpu.memory_space<semaphore_mem>>
      %dma_start3A_299 = arith.constant 0 : i32
      %dma_start3A_300 = tpu.memref_slice %arg6[%run_scoped3A_282, %run_scoped3A_283, %dma_start3A_299] : memref<3x2x128xi32, #tpu.memory_space<vmem>> -> memref<1x1x128xi32, #tpu.memory_space<vmem>>
      %dma_start3A_301 = tpu.memref_squeeze %dma_start3A_300 : memref<1x1x128xi32, #tpu.memory_space<vmem>> -> memref<128xi32, #tpu.memory_space<vmem>>
      %dma_start3A_302 = arith.constant 0 : i32
      %dma_start3A_303 = arith.constant 0 : i32
      %dma_start3A_304 = tpu.memref_slice %arg10[%dma_start3A_302, %dma_start3A_303] : memref<10000x128xf32, #tpu.memory_space<vmem_shared>> -> memref<10000x128xf32, #tpu.memory_space<vmem_shared>>
      tpu.enqueue_indirect_dma source(%arg9 : memref<128x128xf32, #tpu.memory_space<vmem>>) target(%dma_start3A_304 : memref<10000x128xf32, #tpu.memory_space<vmem_shared>>) offsets(%dma_start3A_301 : memref<128xi32, #tpu.memory_space<vmem>>) semaphore(%run_scoped3A_298 : memref<!tpu.dma_semaphore, #tpu.memory_space<semaphore_mem>>) {add = true}
      %dma_wait3A_305 = arith.constant 0 : i32
      %dma_wait3A_306 = tpu.memref_slice %arg6[%run_scoped3A_282, %run_scoped3A_283, %dma_wait3A_305] : memref<3x2x128xi32, #tpu.memory_space<vmem>> -> memref<1x1x128xi32, #tpu.memory_space<vmem>>
      %dma_wait3A_307 = tpu.memref_squeeze %dma_wait3A_306 : memref<1x1x128xi32, #tpu.memory_space<vmem>> -> memref<128xi32, #tpu.memory_space<vmem>>
      %dma_wait3A_308 = arith.constant 0 : i32
      %dma_wait3A_309 = arith.constant 0 : i32
      %dma_wait3A_310 = tpu.memref_slice %arg10[%dma_wait3A_308, %dma_wait3A_309] : memref<10000x128xf32, #tpu.memory_space<vmem_shared>> -> memref<10000x128xf32, #tpu.memory_space<vmem_shared>>
      tpu.wait_indirect_dma semaphore(%run_scoped3A_298 : memref<!tpu.dma_semaphore, #tpu.memory_space<semaphore_mem>>) src(%arg9 : memref<128x128xf32, #tpu.memory_space<vmem>>) dst(%dma_wait3A_310 : memref<10000x128xf32, #tpu.memory_space<vmem_shared>>)
      tpu.yield
    }) : () -> ()
    %convert_element_type3A_284 = arith.extui %lt3A_5 : i1 to i32
    %cond3A_285 = arith.constant 0 : i32
    %cond3A_286 = arith.cmpi ne, %convert_element_type3A_284, %cond3A_285 : i32
    scf.if %cond3A_286 {
      %dma_wait3A_298 = arith.constant 0 : i32
      %dma_wait3A_299 = arith.constant 0 : i32
      %dma_wait3A_300 = tpu.memref_slice %arg5[%dma_wait3A_298, %dma_wait3A_299] : memref<3x128xi32, #tpu.memory_space<vmem>> -> memref<1x128xi32, #tpu.memory_space<vmem>>
      %dma_wait3A_301 = tpu.memref_squeeze %dma_wait3A_300 : memref<1x128xi32, #tpu.memory_space<vmem>> -> memref<128xi32, #tpu.memory_space<vmem>>
      %dma_wait3A_302 = arith.constant 0 : i32
      %dma_wait3A_303 = arith.constant 0 : i32
      %dma_wait3A_304 = tpu.memref_slice %arg2[%dma_wait3A_302, %dma_wait3A_303] : memref<10000x128xf32, #tpu.memory_space<hbm>> -> memref<10000x128xf32, #tpu.memory_space<hbm>>
      tpu.wait_indirect_dma semaphore(%arg11 : memref<!tpu.dma_semaphore, #tpu.memory_space<semaphore_mem>>) src(%dma_wait3A_304 : memref<10000x128xf32, #tpu.memory_space<hbm>>) dst(%arg7 : memref<128x128xf32, #tpu.memory_space<vmem>>)
      %add3A_305 = arith.constant 78 : i32
      %add3A_306 = arith.addi %add3A_4, %add3A_305 : i32
      %mul3A_307 = arith.constant 128 : i32
      %mul3A_308 = arith.muli %add3A_306, %mul3A_307 : i32
      %dma_wait3A_309 = arith.constant 0 : i32
      %dma_wait3A_310 = arith.constant 0 : i32
      %dma_wait3A_311 = arith.constant 0 : i32
      %dma_wait3A_312 = tpu.memref_slice %arg6[%dma_wait3A_309, %dma_wait3A_310, %dma_wait3A_311] : memref<3x2x128xi32, #tpu.memory_space<vmem>> -> memref<1x2x128xi32, #tpu.memory_space<vmem>>
      %dma_wait3A_313 = tpu.memref_squeeze %dma_wait3A_312 : memref<1x2x128xi32, #tpu.memory_space<vmem>> -> memref<2x128xi32, #tpu.memory_space<vmem>>
      %dma_wait3A_314 = arith.constant 0 : i32
      %dma_wait3A_315 = tpu.memref_slice %arg3[%dma_wait3A_314, %mul3A_308] : memref<2x320000xi32, #tpu.memory_space<hbm>> -> memref<2x128xi32, #tpu.memory_space<hbm>>
      %dma_wait3A_316 = arith.constant 0 : i32
      %dma_wait3A_317 = arith.constant 0 : i32
      %dma_wait3A_318 = tpu.memref_slice %arg6[%dma_wait3A_309, %dma_wait3A_316, %dma_wait3A_317] : memref<3x2x128xi32, #tpu.memory_space<vmem>> -> memref<1x2x128xi32, #tpu.memory_space<vmem>>
      %dma_wait3A_319 = tpu.memref_squeeze %dma_wait3A_318 : memref<1x2x128xi32, #tpu.memory_space<vmem>> -> memref<2x128xi32, #tpu.memory_space<vmem>>
      %dma_wait3A_320 = arith.constant 0 : i32
      %dma_wait3A_321 = tpu.memref_slice %arg3[%dma_wait3A_320, %mul3A_308] : memref<2x320000xi32, #tpu.memory_space<hbm>> -> memref<2x128xi32, #tpu.memory_space<hbm>>
      tpu.wait_dma2 semaphore(%arg17 : memref<!tpu.dma_semaphore, #tpu.memory_space<semaphore_mem>>) src(%dma_wait3A_321 : memref<2x128xi32, #tpu.memory_space<hbm>>) dst(%dma_wait3A_319 : memref<2x128xi32, #tpu.memory_space<vmem>>)
      %run_scoped3A_322 = arith.constant 0 : i32
      %run_scoped3A_323 = arith.constant 1 : i32
      "tpu.region"() ({
        %run_scoped3A_324 = tpu.sem_alloc : memref<!tpu.dma_semaphore, #tpu.memory_space<semaphore_mem>>
        %dma_start3A_325 = arith.constant 0 : i32
        %dma_start3A_326 = tpu.memref_slice %arg6[%run_scoped3A_322, %run_scoped3A_323, %dma_start3A_325] : memref<3x2x128xi32, #tpu.memory_space<vmem>> -> memref<1x1x128xi32, #tpu.memory_space<vmem>>
        %dma_start3A_327 = tpu.memref_squeeze %dma_start3A_326 : memref<1x1x128xi32, #tpu.memory_space<vmem>> -> memref<128xi32, #tpu.memory_space<vmem>>
        %dma_start3A_328 = arith.constant 0 : i32
        %dma_start3A_329 = arith.constant 0 : i32
        %dma_start3A_330 = tpu.memref_slice %arg10[%dma_start3A_328, %dma_start3A_329] : memref<10000x128xf32, #tpu.memory_space<vmem_shared>> -> memref<10000x128xf32, #tpu.memory_space<vmem_shared>>
        tpu.enqueue_indirect_dma source(%arg7 : memref<128x128xf32, #tpu.memory_space<vmem>>) target(%dma_start3A_330 : memref<10000x128xf32, #tpu.memory_space<vmem_shared>>) offsets(%dma_start3A_327 : memref<128xi32, #tpu.memory_space<vmem>>) semaphore(%run_scoped3A_324 : memref<!tpu.dma_semaphore, #tpu.memory_space<semaphore_mem>>) {add = true}
        %dma_wait3A_331 = arith.constant 0 : i32
        %dma_wait3A_332 = tpu.memref_slice %arg6[%run_scoped3A_322, %run_scoped3A_323, %dma_wait3A_331] : memref<3x2x128xi32, #tpu.memory_space<vmem>> -> memref<1x1x128xi32, #tpu.memory_space<vmem>>
        %dma_wait3A_333 = tpu.memref_squeeze %dma_wait3A_332 : memref<1x1x128xi32, #tpu.memory_space<vmem>> -> memref<128xi32, #tpu.memory_space<vmem>>
        %dma_wait3A_334 = arith.constant 0 : i32
        %dma_wait3A_335 = arith.constant 0 : i32
        %dma_wait3A_336 = tpu.memref_slice %arg10[%dma_wait3A_334, %dma_wait3A_335] : memref<10000x128xf32, #tpu.memory_space<vmem_shared>> -> memref<10000x128xf32, #tpu.memory_space<vmem_shared>>
        tpu.wait_indirect_dma semaphore(%run_scoped3A_324 : memref<!tpu.dma_semaphore, #tpu.memory_space<semaphore_mem>>) src(%arg7 : memref<128x128xf32, #tpu.memory_space<vmem>>) dst(%dma_wait3A_336 : memref<10000x128xf32, #tpu.memory_space<vmem_shared>>)
        tpu.yield
      }) : () -> ()
    } else {
    }
    %barrier3A_287 = arith.constant 0 : index
    tpu.barrier barrier_id(%barrier3A_287)
    %lt3A_288 = arith.constant 15 : i32
    %lt3A_289 = arith.cmpi slt, %arg1, %lt3A_288 : i32
    %convert_element_type3A_290 = arith.extui %lt3A_289 : i1 to i32
    %cond3A_291 = arith.constant 0 : i32
    %cond3A_292 = arith.cmpi ne, %convert_element_type3A_290, %cond3A_291 : i32
    scf.if %cond3A_292 {
      %mul3A_298 = arith.constant 624 : i32
      %mul3A_299 = arith.muli %arg1, %mul3A_298 : i32
      %mul3A_300 = arith.constant 10000 : i32
      %mul3A_301 = arith.muli %arg0, %mul3A_300 : i32
      %mul3A_302 = arith.constant 624 : i32
      %mul3A_303 = arith.muli %arg1, %mul3A_302 : i32
      %add3A_304 = arith.addi %mul3A_301, %mul3A_303 : i32
      "tpu.region"() ({
        %run_scoped3A_305 = tpu.sem_alloc : memref<!tpu.dma_semaphore, #tpu.memory_space<semaphore_mem>>
        %dma_start3A_306 = arith.constant 0 : i32
        %dma_start3A_307 = tpu.memref_slice %arg4[%add3A_304, %dma_start3A_306] : memref<20000x128xf32, #tpu.memory_space<hbm>> -> memref<624x128xf32, #tpu.memory_space<hbm>>
        %dma_start3A_308 = arith.constant 0 : i32
        %dma_start3A_309 = tpu.memref_slice %arg10[%mul3A_299, %dma_start3A_308] : memref<10000x128xf32, #tpu.memory_space<vmem_shared>> -> memref<624x128xf32, #tpu.memory_space<vmem_shared>>
        tpu.enqueue_dma source(%dma_start3A_309 : memref<624x128xf32, #tpu.memory_space<vmem_shared>>) target(%dma_start3A_307 : memref<624x128xf32, #tpu.memory_space<hbm>>) target_semaphore(%run_scoped3A_305 : memref<!tpu.dma_semaphore, #tpu.memory_space<semaphore_mem>>)
        %dma_wait3A_310 = arith.constant 0 : i32
        %dma_wait3A_311 = tpu.memref_slice %arg4[%add3A_304, %dma_wait3A_310] : memref<20000x128xf32, #tpu.memory_space<hbm>> -> memref<624x128xf32, #tpu.memory_space<hbm>>
        %dma_wait3A_312 = arith.constant 0 : i32
        %dma_wait3A_313 = tpu.memref_slice %arg10[%mul3A_299, %dma_wait3A_312] : memref<10000x128xf32, #tpu.memory_space<vmem_shared>> -> memref<624x128xf32, #tpu.memory_space<vmem_shared>>
        tpu.wait_dma2 semaphore(%run_scoped3A_305 : memref<!tpu.dma_semaphore, #tpu.memory_space<semaphore_mem>>) src(%dma_wait3A_313 : memref<624x128xf32, #tpu.memory_space<vmem_shared>>) dst(%dma_wait3A_311 : memref<624x128xf32, #tpu.memory_space<hbm>>)
        tpu.yield
      }) : () -> ()
    } else {
    }
    %eq3A_293 = arith.constant 15 : i32
    %eq3A_294 = arith.cmpi eq, %arg1, %eq3A_293 : i32
    %convert_element_type3A_295 = arith.extui %eq3A_294 : i1 to i32
    %cond3A_296 = arith.constant 0 : i32
    %cond3A_297 = arith.cmpi ne, %convert_element_type3A_295, %cond3A_296 : i32
    scf.if %cond3A_297 {
      %mul3A_298 = arith.constant 10000 : i32
      %mul3A_299 = arith.muli %arg0, %mul3A_298 : i32
      %add3A_300 = arith.constant 9360 : i32
      %add3A_301 = arith.addi %mul3A_299, %add3A_300 : i32
      "tpu.region"() ({
        %run_scoped3A_302 = tpu.sem_alloc : memref<!tpu.dma_semaphore, #tpu.memory_space<semaphore_mem>>
        %dma_start3A_303 = arith.constant 0 : i32
        %dma_start3A_304 = tpu.memref_slice %arg4[%add3A_301, %dma_start3A_303] : memref<20000x128xf32, #tpu.memory_space<hbm>> -> memref<640x128xf32, #tpu.memory_space<hbm>>
        %dma_start3A_305 = arith.constant 9360 : i32
        %dma_start3A_306 = arith.constant 0 : i32
        %dma_start3A_307 = tpu.memref_slice %arg10[%dma_start3A_305, %dma_start3A_306] : memref<10000x128xf32, #tpu.memory_space<vmem_shared>> -> memref<640x128xf32, #tpu.memory_space<vmem_shared>>
        tpu.enqueue_dma source(%dma_start3A_307 : memref<640x128xf32, #tpu.memory_space<vmem_shared>>) target(%dma_start3A_304 : memref<640x128xf32, #tpu.memory_space<hbm>>) target_semaphore(%run_scoped3A_302 : memref<!tpu.dma_semaphore, #tpu.memory_space<semaphore_mem>>)
        %dma_wait3A_308 = arith.constant 0 : i32
        %dma_wait3A_309 = tpu.memref_slice %arg4[%add3A_301, %dma_wait3A_308] : memref<20000x128xf32, #tpu.memory_space<hbm>> -> memref<640x128xf32, #tpu.memory_space<hbm>>
        %dma_wait3A_310 = arith.constant 9360 : i32
        %dma_wait3A_311 = arith.constant 0 : i32
        %dma_wait3A_312 = tpu.memref_slice %arg10[%dma_wait3A_310, %dma_wait3A_311] : memref<10000x128xf32, #tpu.memory_space<vmem_shared>> -> memref<640x128xf32, #tpu.memory_space<vmem_shared>>
        tpu.wait_dma2 semaphore(%run_scoped3A_302 : memref<!tpu.dma_semaphore, #tpu.memory_space<semaphore_mem>>) src(%dma_wait3A_312 : memref<640x128xf32, #tpu.memory_space<vmem_shared>>) dst(%dma_wait3A_309 : memref<640x128xf32, #tpu.memory_space<hbm>>)
        tpu.yield
      }) : () -> ()
    } else {
    }
    return
  }
}

</mosaic_0001>

<sc_bundles>
// kernel: _sc_aggregate.3.cloned.1.call-start
scs
__scs_entry_jumppad:
0x0: {  	(pc) =	sbr.rel $0x88, $3  }
0x1: {  	(tag) =	ssettag $0x0;
	lr =	simm.s32 $0x1  }
0x2: {  	[smem:$0x3F9F] =	sst lr;
	_ =	strace $0xD0000000  }
0x3: {  	_ = 	snop  }
0x4: {  	_ = 	snop  }
0x5: {  	_ = 	snop  }
0x6: {  	_ = 	snop  }
0x7: {  	_ = 	snop  }
__scs_overlays_trampoline_lowered:
0x8: {  	[smem:$0x3FAE] =	sst s0  }
0x9: {  	[smem:$0x3FAF] =	sst s1  }
0xa: {  	[smem:$0x3FB0] =	sst s2  }
0xb: {  	[smem:$0x3FB1] =	sst s3  }
0xc: {  	[smem:$0x3FB2] =	sst s4  }
0xd: {  	[smem:$0x3FB3] =	sst s5  }
0xe: {  	[smem:$0x3FB4] =	sst s6  }
0xf: {  	[smem:$0x3FB5] =	sst s7  }
0x10: {  	[smem:$0x3FB6] =	sst s8  }
0x11: {  	[smem:$0x3FB7] =	sst s9;
	s0 =	simm.s32 @!p0 $0x0  }
0x12: {  	s1 =	sld [smem:$0x3F9D];
	s0 =	simm.s32 @p0 $0x1  }
0x13: {  	[smem:$0x3FB8] =	sst s0;
	s0 =	simm.s32 @!p1 $0x0  }
0x14: {  	s2 =	sld [smem:$0x3F9C];
	s0 =	simm.s32 @p1 $0x1  }
0x15: {  	[smem:$0x3FB9] =	sst s0;
	s0 =	simm.s32 @!p2 $0x0  }
0x16: {  	s3 =	sld [smem:$0x3FDB];
	s0 =	simm.s32 @p2 $0x1  }
0x17: {  	s4 =	simm.s32 $0x1BF5;
	[smem:$0x3FBB] =	sst s0  }
0x18: {  	s0 =	sld [smem:$0x3F9E];
	_ =	swait.ge [sflag:s4], $0x0  }
0x19: {  	s7 =	sld [smem:$0x3F9F]  }
0x1a: {  	s8 =	sadd.s32 $0xFFFFE003, lr  }
0x1b: {  	s9 =	sadd.s32 $0xFFFFFEF7, lr;
	s5 =	simm.s32 $0xFFFFFFFF;
	p2 =	slt.u32 s8, $0xFFFFF086  }
0x1c: {  	p1 =	slt.u32 s9, $0xF7A;
	s5 =	simm.s32 @!p2 $0x0  }
0x1d: {  	s5 =	simm.s32 @p1 $0x1;
	p0 =	seq.s32 s7, s2  }
0x1e: {  	s7 =	smul.u32 @!p0 $0xF7A, s2;
	p2 =	seq.s32 @!p0 s5, $0x0  }
0x1f: {  	s9 =	smul.u32 $0xF7A, s1;
	s8 =	simm.s32 @!p0 $0x1BF5;
	p2 =	por !p2, p0  }
0x20: {  	[sflag:s8] =	ssyncset.s32 @!p0 $0xFFFFF086;
	s6 =	sadd.s32 @!p0 s3, s7;
	s7 =	simm.s32 @!p0 $0x108  }
0x21: {  	s3 =	sadd.s32 s3, s9;
	s6 =	sadd.s32 @!p0 $0x88, s6;
	s7 =	simm.s32 @p2 $0x1082  }
0x22: {  	[simem:s7], [sflag:s8] =	dma.local @!p0 [hbm:s6], $0xF7A  }
0x23: {  	s9 =	sor.u32 $0xD0000000, s2;
	s6 =	simm.s32 $0x108;
	_ =	swait.ge @!p0 [sflag:s8], $0x0  }
0x24: {  	s3 =	sadd.s32 $0x88, s3;
	s6 =	simm.s32 @!p1 $0x1082;
	[sflag:s4] =	ssyncset.s32 $0xFFFFF086  }
0x25: {  	[simem:s6], [sflag:s4] =	dma.local [hbm:s3], $0xF7A  }
0x26: {  	[smem:$0x3F9F] =	sst s1;
	(tag) =	ssettag s2;
	_ =	strace s9  }
0x27: {  	s1 =	sld [smem:$0x3FAF]  }
0x28: {  	s2 =	sld [smem:$0x3FB0]  }
0x29: {  	s4 =	sld [smem:$0x3FB2]  }
0x2a: {  	p0 =	seq.s32 s5, $0x0;
	s5 =	sld [smem:$0x3FB3]  }
0x2b: {  	s6 =	sld [smem:$0x3FB4]  }
0x2c: {  	s7 =	sld [smem:$0x3FB5]  }
0x2d: {  	s3 =	simm.s32 $0x108;
	s8 =	sld [smem:$0x3FB6]  }
0x2e: {  	s3 =	simm.s32 @!p0 $0x1082;
	s9 =	sld [smem:$0x3FB7]  }
0x2f: {  	lr =	sadd.s32 s0, s3;
	s0 =	sld [smem:$0x3FAE]  }
0x30: {  	s3 =	sld [smem:$0x3FB1]  }
0x31: {  	[smem:$0x3FBA] =	sst s10  }
0x32: {  	s10 =	sld [smem:$0x3FB8];
	_ =	sdelay $0x3  }
0x33: {  	p0 =	seq.s32 s10, $0x1;
	s10 =	sld [smem:$0x3FBA];
	_ =	sdelay $0x3  }
0x34: {  	[smem:$0x3FBA] =	sst s10  }
0x35: {  	s10 =	sld [smem:$0x3FB9];
	_ =	sdelay $0x3  }
0x36: {  	p1 =	seq.s32 s10, $0x1;
	s10 =	sld [smem:$0x3FBA];
	_ =	sdelay $0x3  }
0x37: {  	[smem:$0x3FBA] =	sst s10  }
0x38: {  	s10 =	sld [smem:$0x3FBB]  }
0x39: {  	_ = 	snop;
	(pc) =	sbr.ind lr, $3  }
0x3a: {  	_ = 	snop  }
0x3b: {  	_ = 	snop  }
0x3c: {  	p2 =	seq.s32 s10, $0x1;
	s10 =	sld [smem:$0x3FBA]  }
0x3d: {  	_ =	shalt  }
0x3e: {  	_ =	shalt  }
0x3f: {  	_ =	shalt  }
0x40: {  	_ =	shalt  }
0x41: {  	_ =	shalt  }
0x42: {  	_ =	shalt  }
0x43: {  	_ =	shalt  }
0x44: {  	_ =	shalt  }
0x45: {  	_ =	shalt  }
0x46: {  	_ =	shalt  }
0x47: {  	_ =	shalt  }
0x48: {  	_ =	shalt  }
0x49: {  	_ =	shalt  }
0x4a: {  	_ =	shalt  }
0x4b: {  	_ =	shalt  }
0x4c: {  	_ =	shalt  }
0x4d: {  	_ =	shalt  }
0x4e: {  	_ =	shalt  }
0x4f: {  	_ =	shalt  }
0x50: {  	_ =	shalt  }
0x51: {  	_ =	shalt  }
0x52: {  	_ =	shalt  }
0x53: {  	_ =	shalt  }
0x54: {  	_ =	shalt  }
0x55: {  	_ =	shalt  }
0x56: {  	_ =	shalt  }
0x57: {  	_ =	shalt  }
0x58: {  	_ =	shalt  }
0x59: {  	_ =	shalt  }
0x5a: {  	_ =	shalt  }
0x5b: {  	_ =	shalt  }
0x5c: {  	_ =	shalt  }
0x5d: {  	_ =	shalt  }
0x5e: {  	_ =	shalt  }
0x5f: {  	_ =	shalt  }
0x60: {  	_ =	shalt  }
0x61: {  	_ =	shalt  }
0x62: {  	_ =	shalt  }
0x63: {  	_ =	shalt  }
0x64: {  	_ =	shalt  }
0x65: {  	_ =	shalt  }
0x66: {  	_ =	shalt  }
0x67: {  	_ =	shalt  }
0x68: {  	_ =	shalt  }
0x69: {  	_ =	shalt  }
0x6a: {  	_ =	shalt  }
0x6b: {  	_ =	shalt  }
0x6c: {  	_ =	shalt  }
0x6d: {  	_ =	shalt  }
0x6e: {  	_ =	shalt  }
0x6f: {  	_ =	shalt  }
0x70: {  	_ =	shalt  }
0x71: {  	_ =	shalt  }
0x72: {  	_ =	shalt  }
0x73: {  	_ =	shalt  }
0x74: {  	_ =	shalt  }
0x75: {  	_ =	shalt  }
0x76: {  	_ =	shalt  }
0x77: {  	_ =	shalt  }
0x78: {  	_ =	shalt  }
0x79: {  	_ =	shalt  }
0x7a: {  	_ =	shalt  }
0x7b: {  	_ =	shalt  }
0x7c: {  	_ =	shalt  }
0x7d: {  	_ =	shalt  }
0x7e: {  	_ =	shalt  }
0x7f: {  	_ =	shalt  }
0x80: {  	_ =	shalt  }
0x81: {  	_ =	shalt  }
0x82: {  	_ =	shalt  }
0x83: {  	_ =	shalt  }
0x84: {  	_ =	shalt  }
0x85: {  	_ =	shalt  }
0x86: {  	_ =	shalt  }
0x87: {  	_ =	shalt  }
.Lfunc_end0:
.L_simem_size_0:
called_computation_lowered:
.L_overlay_start_0:
0x88: {  	s2 =	sld [smem:$0x3FD9]  }
0x89: {  	s3 =	sld [smem:$0x3FFE];
	_ =	sdelay $0x1  }
0x8a: {  	s1 =	srdreg.scid  }
0x8b: {  	s0 =	sand.u32 $0x1, s1  }
0x8c: {  	s18 =	sshll.u32 s0, $0xA;
	s2 =	sadd.s32 s3, s2  }
0x8d: {  	s2 =	sadd.s32 s2, s18  }
0x8e: {  	[smem:$0x3FC6] =	sst s2  }
0x8f: {  	_ = 	snop  }
0x90: {  	s2 =	sld [smem:$0x3FC9]  }
0x91: {  	s19 =	sld [smem:$0x3FC8]  }
0x92: {  	s4 =	sld [smem:$0x3FD0];
	(tm) =	ssettm $0x1  }
0x93: {  	s5 =	sld [smem:$0x3FFB];
	_ =	sdelay $0x3  }
0x94: {  	_ =	strace s5  }
0x95: {  	s5 =	sld [smem:$0x3FFC];
	_ =	sdelay $0x3  }
0x96: {  	_ =	strace s5  }
0x97: {  	s5 =	sld [smem:$0x3FFD];
	_ =	sdelay $0x3  }
0x98: {  	_ =	strace s5  }
0x99: {  	_ =	strace $0x8FFFFFFF  }
0x9a: {  	s20 =	sld [smem:$0x3FDB];
	_ =	sdelay $0x1  }
0x9b: {  	s6 =	simm.s32 $_scs_section_size  }
0x9c: {  	s7 =	simm.s32 $_size__tile_overlayer_lowered;
	s8 =	simm.s32 $_tile_overlayer_lowered  }
0x9d: {  	s23 =	simm.s32 $0x1BFF;
	s22 =	sshll.u32 s8, $0x1;
	s5 =	sadd.s32 s6, s20  }
0x9e: {  	s9 =	simm.s32 $0x0;
	s21 =	sshll.u32 s7, $0x1;
	s7 =	sadd.s32 s22, s5  }
0x9f: {  	[timem:s9], [sflag:s23] =	dma.local [hbm:s7], s21  }
0xa0: {  	_ =	swait.ge [sflag:s23], s21  }
0xa1: {  	s6 =	ssub.s32 $0x0, s21;
	[sflag:s23] =	ssyncset.done $0x0  }
0xa2: {  	[sflag:s23] =	ssyncadd.s32 s6;
	_ =	sdelay $0x1  }
0xa3: {  	s24 =	simm.s32 $0x1B8B  }
0xa4: {  	_ =	swait.ge [sflag:s24], $0x1  }
0xa5: {  	[sflag:s24] =	ssyncset.done $0x0  }
0xa6: {  	s25 =	simm.s32 $0x1B8E;
	[sflag:s24] =	ssyncadd.s32 $0xFFFFFFFF  }
0xa7: {  	s26 =	simm.s32 $execute0_lowered;
	[smem:$0x3FD2] =	sst s25  }
0xa8: {  	s6 =	sshll.u32 s26, $0x1;
	_ =	strace $0x80000046;
	[dreg:$0x1] =	wrdreg $0xFFFFFFFF  }
0xa9: {  	s28 =	simm.s32 $_size_execute0_lowered;
	s5 =	sadd.s32 s5, s6;
	[dreg:$0x0] =	wrdreg $0x0  }
0xaa: {  	s6 =	sshll.u32 s28, $0x1;
	[dreg:$0x2] =	wrdreg s5  }
0xab: {  	[dreg:$0x3] =	wrdreg s6  }
0xac: {  	[dreg:$0x4] =	wrdreg $0xC0  }
0xad: {  	_ =	task [dreg:s9], $0x5FFFF  }
0xae: {  	[dreg:$0x1] =	wrdreg $0xFFFFFFFF  }
0xaf: {  	[dreg:$0x0] =	wrdreg $0x60  }
0xb0: {  	[dreg:$0x2] =	wrdreg s2  }
0xb1: {  	[dreg:$0x3] =	wrdreg s19  }
0xb2: {  	[dreg:$0x4] =	wrdreg s4  }
0xb3: {  	[dreg:$0x5] =	wrdreg $0xC5000  }
0xb4: {  	[dreg:$0x6] =	wrdreg $0x9  }
0xb5: {  	_ =	task.clear_ibuf [dreg:s9], $0x7FFFF;
	_ =	strace $0x90000046  }
0xb6: {  	s29 =	simm.s32 $0x9;
	_ =	strace $0x80000048  }
0xb7: {  	_ =	swait.ge [sflag:s29], $0x1  }
0xb8: {  	[sflag:s29] =	ssyncadd.s32 $0xFFFFFFFF  }
0xb9: {  	_ =	strace $0x90000048  }
0xba: {  	_ =	sfence  }
0xbb: {  	s30 =	sld [smem:$0x0];
	_ =	sdelay $0x2  }
0xbc: {  	s31 =	sshll.u32 s1, $0xD;
	s1 =	sshrl.u32 s1, $0x2  }
0xbd: {  	s3 =	sand.u32 $0x4000, s31;
	s1 =	sadd.s32 s1, s30  }
0xbe: {  	s0 =	sor.u32 s3, s0;
	s1 =	sshll.u32 s1, $0x11  }
0xbf: {  	s0 =	sor.u32 s1, s0  }
0xc0: {  	s0 =	sadd.s32 $0x8F2B, s0  }
0xc1: {  	[sflag:s0] =	ssyncadd.remote.s32 $0x1  }
0xc2: {  	_ =	sfence.sel $0xFFFF  }
0xc3: {  	[dreg:$0x0] =	wrdreg $0xFFFFFFFF;
	(pc) =	sbr.abs _section_cstart, $3  }
0xc4: {  	[dreg:$0x1] =	wrdreg $0xFFFFFFFF  }
0xc5: {  	_ =	task.clear_ibuf [dreg:s9], $0x2FFFF;
	_ =	strace $0x9FFFFFFF  }
0xc6: {  	(tm) =	ssettm $0x7FFFFFFF  }
0xc7: {  	_ =	shalt  }
tec
execute0_lowered:
.L_overlay_start_1:
0x0: {  	(tag) =	ssettag $0x1  }
0x1: {  	s1 =	rddreg [dreg:$0x0]  }
0x2: {  	s0 =	rddreg [dreg:$0x1]  }
0x3: {  	s2 =	srdreg.scid;
	s5 =	rddreg [dreg:$0x2]  }
0x4: {  	s11 =	stileid.u32;
	s3 =	rddreg [dreg:$0x3]  }
0x5: {  	s28 =	simm.s32 $0x4;
	s29 =	simm.s32 $0x5;
	s8 =	smul.u32 $0x4E000, s11  }
0x6: {  	s30 =	simm.s32 $0x4500;
	s31 =	simm.s32 $0x6;
	s16 =	smul.u32 $0x2700, s11  }
0x7: {  	s2 =	sand.u32 $0x1, s2;
	s12 =	sadd.s32 $0x134800, s3;
	s20 =	smul.u32 $0x1380, s11  }
0x8: {  	s4 =	sshll.u32 s11, $0x1;
	s17 =	sadd.s32 $0x124800, s3;
	s26 =	smul.u32 $0x138800, s2  }
0x9: {  	p0 =	seq.s32 s11, $0xF;
	s6 =	sor.u32 s2, s4;
	s15 =	smul.u32 $0x27100, s2  }
0xa: {  	s4 =	simm.s32 $0x0;
	s9 =	ssub.s32 $0x2, s2;
	s2 =	smul.u32 $0x9C0, s2  }
0xb: {  	p1 =	sgt.u32 s11, $0x1;
	s7 =	smul.u32 $0x4E, s6;
	[smem:$0x7FF] =	sst s4  }
0xc: {  	s6 =	smin.u32 s6, $0x4;
	s10 =	sshrl.u32 s9, $0x1;
	s8 =	sshrl.u32 s8, $0x2  }
0xd: {  	_ =	strace $0x80000047;
	s9 =	ssub.s32 s9, s10;
	s25 =	sadd.s32 s8, s3  }
0xe: {  	[dreg:$0x7] =	wrdreg s12;
	s19 =	sadd.s32 s16, s15;
	s12 =	simm.s32 $0x1  }
0xf: {  	s15 =	simm.s32 $0x9;
	s8 =	sadd.s32 $0x10000, s25;
	[dreg:$0x5] =	wrdreg s25  }
0x10: {  	s16 =	simm.s32 $0x480;
	s21 =	smax.u32 s9, $0x1;
	[dreg:$0x6] =	wrdreg s8  }
0x11: {  	s7 =	sadd.s32 s6, s7;
	s22 =	sadd.s32 $0x4000, s25;
	[dreg:$0xe] =	wrdreg s21  }
0x12: {  	s23 =	sadd.s32 $0x8000, s25;
	s24 =	sadd.s32 $0xC000, s25;
	[dreg:$0xf] =	wrdreg s22  }
0x13: {  	s25 =	sshll.u32 s6, $0x5;
	s6 =	simm.s32 $0x8;
	[dreg:$0x10] =	wrdreg s23  }
0x14: {  	s7 =	sshll.u32 s7, $0x5;
	s8 =	sshrl.u32 s26, $0x3;
	[dreg:$0x11] =	wrdreg s24  }
0x15: {  	s21 =	simm.s32 $0x200;
	s22 =	simm.s32 $0x80;
	s23 =	simm.s32 $0x300  }
0x16: {  	s24 =	simm.s32 $0x100;
	s26 =	sshrl.u32 s17, $0x3;
	s17 =	simm.s32 $0x0  }
0x17: {  	s7 =	sadd.s32 s0, s7;
	s8 =	sadd.s32 s5, s8;
	s5 =	sadd.s32 s5, s19  }
0x18: {  	s0 =	sadd.s32 s20, s0;
	s19 =	simm.s32 $0x500;
	[dreg:$0x12] =	wrdreg s26  }
0x19: {  	s20 =	simm.s32 $0xA;
	s26 =	simm.s32 $0x400;
	[dreg:$0xb] =	wrdreg s7  }
0x1a: {  	s14 =	sadd.s32 $0x20, s7;
	s13 =	sadd.s32 $0x40, s7;
	[dreg:$0xd] =	wrdreg s5  }
.Ltmp0:
0x1b: {  	s18 =	sadd.s32 $0x24900, s8;
	[dreg:$0x8] =	wrdreg s14;
	(pc) =	sbr.rel .LBB2_1-.Ltmp0, $4  }
0x1c: {  	s0 =	sadd.s32 s2, s0;
	s2 =	simm.s32 $0x8500;
	[dreg:$0x9] =	wrdreg s13  }
0x1d: {  	s8 =	simm.s32 $0x380;
	s14 =	sadd.s32 $0x9C0, s7;
	[dreg:$0xc] =	wrdreg s18  }
0x1e: {  	s18 =	sadd.s32 s25, s0;
	s25 =	simm.s32 $0x7;
	s0 =	simm.s32 $0x280  }
0x1f: {  	v0 =	vimm.f32 $0.0e+00;
	s13 =	simm.s32 $0x2;
	[dreg:$0xa] =	wrdreg s14;
	s14 =	simm.s32 $0x3  }
.LBB2_9:
0x20: {  	s5 =	rddreg [dreg:$0xc]  }
0x21: {  	s7 =	rddreg [dreg:$0x12];
	s9 =	simm.s32 $0x1FCA  }
0x22: {  	[hbm:s5], [sflag:s9] =	dma.local [spmem:s7], $0x2800  }
0x23: {  	_ =	swait.ge [sflag:s20], $0x2800  }
0x24: {  	[sflag:s20] =	ssyncset.done $0x0  }
0x25: {  	[sflag:s20] =	ssyncadd.s32 $0xFFFFD800  }
.LBB2_10:
0x26: {  	s17 =	sadd.s32 $0x1, s17;
	s5 =	rddreg [dreg:$0xe]  }
0x27: {  	p2 =	sne.s32 s17, s5  }
.Ltmp1:
0x28: {  	_ = 	snop;
	(pc) =	sbr.rel @!p2 .LBB2_11-.Ltmp1, $1  }
0x29: {  	_ =	sdelay $0x3  }
.LBB2_1:
0x2a: {  	s5 =	simm.s32 $0x0;
	s9 =	simm.s32 $0x200  }
.LBB2_2:
0x2b: {  	p2 =	sne.s32 s9, $0xFE00;
	[tilespmem:s5+$0x570] =	vst v0  }
0x2c: {  	[tilespmem:s5+$0x500] =	vst v0  }
0x2d: {  	[tilespmem:s5+$0x510] =	vst v0  }
.Ltmp2:
0x2e: {  	[tilespmem:s5+$0x520] =	vst v0;
	(pc) =	sbr.rel @p2 .LBB2_2-.Ltmp2, $4  }
0x2f: {  	[tilespmem:s5+$0x530] =	vst v0  }
0x30: {  	[tilespmem:s5+$0x540] =	vst v0  }
0x31: {  	[tilespmem:s5+$0x550] =	vst v0  }
0x32: {  	[tilespmem:s5+$0x560] =	vst v0;
	s5 =	sshra.s32 s9, $0x2;
	s9 =	sadd.s32 $0x200, s9  }
0x33: {  	[tilespmem:s5+$0x570] =	vst v0  }
0x34: {  	[tilespmem:s5+$0x500] =	vst v0  }
0x35: {  	[tilespmem:s5+$0x510] =	vst v0  }
0x36: {  	[tilespmem:s5+$0x520] =	vst v0  }
0x37: {  	[tilespmem:s5+$0x530] =	vst v0  }
0x38: {  	[tilespmem:s5+$0x540] =	vst v0  }
0x39: {  	[tilespmem:s5+$0x550] =	vst v0  }
0x3a: {  	[tilespmem:s5+$0x560] =	vst v0;
	s9 =	rddreg [dreg:$0x5]  }
0x3b: {  	[spmem:s9] =	stream.linear.scatter [tilespmem:s19], [sflag:$0xA], $0x4000, $0x38;
	[tilespmem:$0x1FD80] =	vst v63  }
0x3c: {  	_ =	swait.ge [sflag:s20], $0x4000  }
0x3d: {  	[sflag:s20] =	ssyncset.done $0x0  }
0x3e: {  	s10 =	rddreg [dreg:$0xf];
	[sflag:s20] =	ssyncadd.s32 $0xFFFFC000  }
0x3f: {  	[spmem:s10] =	stream.linear.scatter [tilespmem:s19], [sflag:$0xA], $0x4000, $0x38;
	[tilespmem:$0x1FD80] =	vst v63  }
0x40: {  	_ =	swait.ge [sflag:s20], $0x4000  }
0x41: {  	[sflag:s20] =	ssyncset.done $0x0  }
0x42: {  	s11 =	rddreg [dreg:$0x10];
	[sflag:s20] =	ssyncadd.s32 $0xFFFFC000  }
0x43: {  	[spmem:s11] =	stream.linear.scatter [tilespmem:s19], [sflag:$0xA], $0x4000, $0x38;
	[tilespmem:$0x1FD80] =	vst v63  }
0x44: {  	_ =	swait.ge [sflag:s20], $0x4000  }
0x45: {  	[sflag:s20] =	ssyncset.done $0x0  }
0x46: {  	s7 =	rddreg [dreg:$0x11];
	[sflag:s20] =	ssyncadd.s32 $0xFFFFC000  }
0x47: {  	[spmem:s7] =	stream.linear.scatter [tilespmem:s19], [sflag:$0xA], $0x4000, $0x38;
	[tilespmem:$0x1FD80] =	vst v63  }
0x48: {  	_ =	swait.ge [sflag:s20], $0x4000  }
0x49: {  	[sflag:s20] =	ssyncset.done $0x0  }
0x4a: {  	s5 =	simm.s32 @p0 $0x500;
	s9 =	rddreg [dreg:$0x7];
	[sflag:s20] =	ssyncadd.s32 $0xFFFFC000  }
0x4b: {  	[spmem:s9] =	stream.linear.scatter @p0 [tilespmem:s5], [sflag:$0xA], $0x4000, $0x38;
	[tilespmem:$0x1FD80] =	vst v63  }
0x4c: {  	s5 =	simm.s32 @p0 $0xA  }
0x4d: {  	_ =	swait.ge @p0 [sflag:s5], $0x4000  }
0x4e: {  	[sflag:s5] =	ssyncset.done @p0 $0x0  }
0x4f: {  	s9 =	rddreg [dreg:$0x6];
	[sflag:s5] =	ssyncadd.s32 @p0 $0xFFFFC000;
	s5 =	simm.s32 @!p0 $0x500  }
0x50: {  	[spmem:s9] =	stream.linear.scatter @!p0 [tilespmem:s5], [sflag:$0xA], $0x3800, $0x38;
	[tilespmem:$0x1FD80] =	vst v63  }
0x51: {  	s5 =	simm.s32 @!p0 $0xA  }
0x52: {  	_ =	swait.ge @!p0 [sflag:s5], $0x3800  }
0x53: {  	[sflag:s5] =	ssyncset.done @!p0 $0x0  }
0x54: {  	s9 =	rddreg [dreg:$0xb];
	[sflag:s5] =	ssyncadd.s32 @!p0 $0xFFFFC800  }
0x55: {  	[tilespmem:s4], [sflag:$0x4] =	stream.linear.gather [hbm4b:s9+s4], $0x80, $0x38;
	[tilespmem:$0x1FD80] =	vst v63  }
0x56: {  	_ = 	snop  }
0x57: {  	[tilespmem:s21], [sflag:$0x7] =	stream.linear.gather [hbm4b:s9+s4], $0x100, $0x38;
	[tilespmem:$0x1FD80] =	vst v63  }
0x58: {  	s10 =	rddreg [dreg:$0x8]  }
0x59: {  	[tilespmem:s22], [sflag:$0x5] =	stream.linear.gather [hbm4b:s10+s4], $0x80, $0x38;
	[tilespmem:$0x1FD80] =	vst v63  }
0x5a: {  	_ = 	snop  }
0x5b: {  	[tilespmem:s23], [sflag:$0x8] =	stream.linear.gather [hbm4b:s10+s4], $0x100, $0x38;
	[tilespmem:$0x1FD80] =	vst v63  }
0x5c: {  	s11 =	rddreg [dreg:$0x9]  }
0x5d: {  	[tilespmem:s24], [sflag:$0x6] =	stream.linear.gather [hbm4b:s11+s4], $0x80, $0x38;
	[tilespmem:$0x1FD80] =	vst v63  }
0x5e: {  	_ = 	snop  }
0x5f: {  	[tilespmem:s26], [sflag:$0x9] =	stream.linear.gather [hbm4b:s11+s4], $0x100, $0x38;
	[tilespmem:$0x1FD80] =	vst v63  }
0x60: {  	_ =	swait.ge [sflag:s28], $0x80  }
0x61: {  	[sflag:s28] =	ssyncset.done $0x0  }
0x62: {  	[sflag:s28] =	ssyncadd.s32 $0xFFFFFF80  }
0x63: {  	[tilespmem:s19], [sflag:$0x1] =	stream.indirect.gather [hbm4b:s1+s22], $0x80, s4, s22, $0xb8;
	[tilespmem:$0x1FD80] =	vst v63  }
0x64: {  	_ =	swait.ge [sflag:s29], $0x80  }
0x65: {  	[sflag:s29] =	ssyncset.done $0x0  }
0x66: {  	[sflag:s29] =	ssyncadd.s32 $0xFFFFFF80  }
0x67: {  	[tilespmem:s30], [sflag:$0x2] =	stream.indirect.gather [hbm4b:s1+s22], $0x80, s22, s22, $0xb8;
	[tilespmem:$0x1FD80] =	vst v63  }
0x68: {  	_ =	swait.ge [sflag:s31], $0x80  }
0x69: {  	[sflag:s31] =	ssyncset.done $0x0  }
0x6a: {  	[sflag:s31] =	ssyncadd.s32 $0xFFFFFF80  }
0x6b: {  	[tilespmem:s2], [sflag:$0x3] =	stream.indirect.gather [hbm4b:s1+s22], $0x80, s24, s22, $0xb8;
	[tilespmem:$0x1FD80] =	vst v63  }
0x6c: {  	[bflag:$0x0] =	sbarrier.arrive $0xFFFF  }
0x6d: {  	_ =	swait.ge [sflag:s12], $0x4000  }
0x6e: {  	s7 =	sadd.s32 $0xFFFFF6A0, s18;
	[sflag:s12] =	ssyncset.done $0x0  }
0x6f: {  	s10 =	sadd.s32 $0x9C0, s7;
	[sflag:s12] =	ssyncadd.s32 $0xFFFFC000  }
0x70: {  	[tilespmem:s4], [sflag:$0x4] =	stream.linear.gather [hbm4b:s10+s4], $0x80, $0x38;
	[tilespmem:$0x1FD80] =	vst v63  }
0x71: {  	_ =	swait.ge [sflag:s25], $0x100  }
0x72: {  	[sflag:s25] =	ssyncset.done $0x0  }
0x73: {  	[sflag:s25] =	ssyncadd.s32 $0xFFFFFF00  }
0x74: {  	[spmem:s3] =	stream.indirect.scatter.add.f32 [tilespmem:s19], [sflag:$0xA], $0x80, s0, s22, $0xb8;
	[tilespmem:$0x1FD80] =	vst v63  }
0x75: {  	_ =	swait.ge [sflag:s20], $0x4000  }
0x76: {  	[sflag:s20] =	ssyncset.done $0x0  }
0x77: {  	[sflag:s20] =	ssyncadd.s32 $0xFFFFC000  }
0x78: {  	[tilespmem:s21], [sflag:$0x7] =	stream.linear.gather [hbm4b:s10+s4], $0x100, $0x38;
	[tilespmem:$0x1FD80] =	vst v63  }
0x79: {  	_ =	swait.ge [sflag:s28], $0x80  }
0x7a: {  	[sflag:s28] =	ssyncset.done $0x0  }
0x7b: {  	[sflag:s28] =	ssyncadd.s32 $0xFFFFFF80  }
0x7c: {  	[tilespmem:s19], [sflag:$0x1] =	stream.indirect.gather [hbm4b:s1+s22], $0x80, s4, s22, $0xb8;
	[tilespmem:$0x1FD80] =	vst v63  }
0x7d: {  	_ =	swait.ge [sflag:s13], $0x4000  }
0x7e: {  	[sflag:s13] =	ssyncset.done $0x0  }
0x7f: {  	s11 =	sadd.s32 $0x9E0, s7;
	[sflag:s13] =	ssyncadd.s32 $0xFFFFC000  }
0x80: {  	[tilespmem:s22], [sflag:$0x5] =	stream.linear.gather [hbm4b:s11+s4], $0x80, $0x38;
	[tilespmem:$0x1FD80] =	vst v63  }
0x81: {  	_ =	swait.ge [sflag:s6], $0x100  }
0x82: {  	[sflag:s6] =	ssyncset.done $0x0  }
0x83: {  	[sflag:s6] =	ssyncadd.s32 $0xFFFFFF00  }
0x84: {  	[spmem:s3] =	stream.indirect.scatter.add.f32 [tilespmem:s30], [sflag:$0xA], $0x80, s8, s22, $0xb8;
	[tilespmem:$0x1FD80] =	vst v63  }
0x85: {  	_ =	swait.ge [sflag:s20], $0x4000  }
0x86: {  	[sflag:s20] =	ssyncset.done $0x0  }
0x87: {  	[sflag:s20] =	ssyncadd.s32 $0xFFFFC000  }
0x88: {  	[tilespmem:s23], [sflag:$0x8] =	stream.linear.gather [hbm4b:s11+s4], $0x100, $0x38;
	[tilespmem:$0x1FD80] =	vst v63  }
0x89: {  	_ =	swait.ge [sflag:s29], $0x80  }
0x8a: {  	[sflag:s29] =	ssyncset.done $0x0  }
0x8b: {  	[sflag:s29] =	ssyncadd.s32 $0xFFFFFF80  }
0x8c: {  	[tilespmem:s30], [sflag:$0x2] =	stream.indirect.gather [hbm4b:s1+s22], $0x80, s22, s22, $0xb8;
	[tilespmem:$0x1FD80] =	vst v63  }
0x8d: {  	_ =	swait.ge [sflag:s14], $0x4000  }
0x8e: {  	[sflag:s14] =	ssyncset.done $0x0  }
0x8f: {  	s5 =	sadd.s32 $0xA00, s7;
	[sflag:s14] =	ssyncadd.s32 $0xFFFFC000  }
0x90: {  	[tilespmem:s24], [sflag:$0x6] =	stream.linear.gather [hbm4b:s5+s4], $0x80, $0x38;
	[tilespmem:$0x1FD80] =	vst v63  }
0x91: {  	_ =	swait.ge [sflag:s15], $0x100  }
0x92: {  	[sflag:s15] =	ssyncset.done $0x0  }
0x93: {  	[sflag:s15] =	ssyncadd.s32 $0xFFFFFF00  }
0x94: {  	[spmem:s3] =	stream.indirect.scatter.add.f32 [tilespmem:s2], [sflag:$0xA], $0x80, s16, s22, $0xb8;
	[tilespmem:$0x1FD80] =	vst v63  }
0x95: {  	_ =	swait.ge [sflag:s20], $0x4000  }
0x96: {  	[sflag:s20] =	ssyncset.done $0x0  }
0x97: {  	[sflag:s20] =	ssyncadd.s32 $0xFFFFC000  }
0x98: {  	[tilespmem:s26], [sflag:$0x9] =	stream.linear.gather [hbm4b:s5+s4], $0x100, $0x38;
	[tilespmem:$0x1FD80] =	vst v63  }
0x99: {  	_ =	swait.ge [sflag:s31], $0x80  }
0x9a: {  	[sflag:s31] =	ssyncset.done $0x0  }
0x9b: {  	s5 =	simm.s32 $0xFFFFF700;
	[sflag:s31] =	ssyncadd.s32 $0xFFFFFF80  }
.LBB2_4:
0x9c: {  	[tilespmem:s2], [sflag:$0x3] =	stream.indirect.gather [hbm4b:s1+s22], $0x80, s24, s22, $0xb8;
	[tilespmem:$0x1FD80] =	vst v63  }
0x9d: {  	s9 =	smov.u32 s5  }
0x9e: {  	p2 =	sne.s32 s5, $0xFFFFFFA0;
	s5 =	sadd.s32 $0x60, s5;
	_ =	swait.ge [sflag:s12], $0x4000  }
0x9f: {  	s9 =	sadd.s32 s9, s18;
	[sflag:s12] =	ssyncset.done $0x0  }
0xa0: {  	s10 =	sadd.s32 $0x9C0, s9;
	[sflag:s12] =	ssyncadd.s32 $0xFFFFC000  }
0xa1: {  	[tilespmem:s4], [sflag:$0x4] =	stream.linear.gather [hbm4b:s10+s4], $0x80, $0x38;
	[tilespmem:$0x1FD80] =	vst v63  }
0xa2: {  	_ =	swait.ge [sflag:s25], $0x100  }
0xa3: {  	[sflag:s25] =	ssyncset.done $0x0  }
0xa4: {  	[sflag:s25] =	ssyncadd.s32 $0xFFFFFF00  }
0xa5: {  	[spmem:s3] =	stream.indirect.scatter.add.f32 [tilespmem:s19], [sflag:$0xA], $0x80, s0, s22, $0xb8;
	[tilespmem:$0x1FD80] =	vst v63  }
0xa6: {  	_ =	swait.ge [sflag:s20], $0x4000  }
0xa7: {  	[sflag:s20] =	ssyncset.done $0x0  }
0xa8: {  	[sflag:s20] =	ssyncadd.s32 $0xFFFFC000  }
0xa9: {  	[tilespmem:s21], [sflag:$0x7] =	stream.linear.gather [hbm4b:s10+s4], $0x100, $0x38;
	[tilespmem:$0x1FD80] =	vst v63  }
0xaa: {  	_ =	swait.ge [sflag:s28], $0x80  }
0xab: {  	[sflag:s28] =	ssyncset.done $0x0  }
0xac: {  	[sflag:s28] =	ssyncadd.s32 $0xFFFFFF80  }
0xad: {  	[tilespmem:s19], [sflag:$0x1] =	stream.indirect.gather [hbm4b:s1+s22], $0x80, s4, s22, $0xb8;
	[tilespmem:$0x1FD80] =	vst v63  }
0xae: {  	_ =	swait.ge [sflag:s13], $0x4000  }
0xaf: {  	[sflag:s13] =	ssyncset.done $0x0  }
0xb0: {  	s10 =	sadd.s32 $0x9E0, s9;
	[sflag:s13] =	ssyncadd.s32 $0xFFFFC000  }
0xb1: {  	[tilespmem:s22], [sflag:$0x5] =	stream.linear.gather [hbm4b:s10+s4], $0x80, $0x38;
	[tilespmem:$0x1FD80] =	vst v63  }
0xb2: {  	_ =	swait.ge [sflag:s6], $0x100  }
0xb3: {  	[sflag:s6] =	ssyncset.done $0x0  }
0xb4: {  	[sflag:s6] =	ssyncadd.s32 $0xFFFFFF00  }
0xb5: {  	[spmem:s3] =	stream.indirect.scatter.add.f32 [tilespmem:s30], [sflag:$0xA], $0x80, s8, s22, $0xb8;
	[tilespmem:$0x1FD80] =	vst v63  }
0xb6: {  	_ =	swait.ge [sflag:s20], $0x4000  }
0xb7: {  	[sflag:s20] =	ssyncset.done $0x0  }
0xb8: {  	[sflag:s20] =	ssyncadd.s32 $0xFFFFC000  }
0xb9: {  	[tilespmem:s23], [sflag:$0x8] =	stream.linear.gather [hbm4b:s10+s4], $0x100, $0x38;
	[tilespmem:$0x1FD80] =	vst v63  }
0xba: {  	_ =	swait.ge [sflag:s29], $0x80  }
0xbb: {  	[sflag:s29] =	ssyncset.done $0x0  }
0xbc: {  	[sflag:s29] =	ssyncadd.s32 $0xFFFFFF80  }
0xbd: {  	[tilespmem:s30], [sflag:$0x2] =	stream.indirect.gather [hbm4b:s1+s22], $0x80, s22, s22, $0xb8;
	[tilespmem:$0x1FD80] =	vst v63  }
0xbe: {  	_ =	swait.ge [sflag:s14], $0x4000  }
0xbf: {  	[sflag:s14] =	ssyncset.done $0x0  }
0xc0: {  	s9 =	sadd.s32 $0xA00, s9;
	[sflag:s14] =	ssyncadd.s32 $0xFFFFC000  }
0xc1: {  	[tilespmem:s24], [sflag:$0x6] =	stream.linear.gather [hbm4b:s9+s4], $0x80, $0x38;
	[tilespmem:$0x1FD80] =	vst v63  }
0xc2: {  	_ =	swait.ge [sflag:s15], $0x100  }
0xc3: {  	[sflag:s15] =	ssyncset.done $0x0  }
0xc4: {  	[sflag:s15] =	ssyncadd.s32 $0xFFFFFF00  }
0xc5: {  	[spmem:s3] =	stream.indirect.scatter.add.f32 [tilespmem:s2], [sflag:$0xA], $0x80, s16, s22, $0xb8;
	[tilespmem:$0x1FD80] =	vst v63  }
0xc6: {  	_ =	swait.ge [sflag:s20], $0x4000  }
0xc7: {  	[sflag:s20] =	ssyncset.done $0x0  }
.Ltmp3:
0xc8: {  	[sflag:s20] =	ssyncadd.s32 $0xFFFFC000;
	(pc) =	sbr.rel @p2 .LBB2_4-.Ltmp3, $4  }
0xc9: {  	[tilespmem:s26], [sflag:$0x9] =	stream.linear.gather [hbm4b:s9+s4], $0x100, $0x38;
	[tilespmem:$0x1FD80] =	vst v63  }
0xca: {  	_ =	swait.ge [sflag:s31], $0x80  }
0xcb: {  	[sflag:s31] =	ssyncset.done $0x0  }
0xcc: {  	[sflag:s31] =	ssyncadd.s32 $0xFFFFFF80  }
0xcd: {  	[tilespmem:s2], [sflag:$0x3] =	stream.indirect.gather [hbm4b:s1+s22], $0x80, s24, s22, $0xb8;
	[tilespmem:$0x1FD80] =	vst v63  }
0xce: {  	_ =	swait.ge [sflag:s12], $0x4000  }
0xcf: {  	[sflag:s12] =	ssyncset.done $0x0  }
0xd0: {  	s5 =	simm.s32 @p1 $0x7;
	[sflag:s12] =	ssyncadd.s32 $0xFFFFC000  }
0xd1: {  	_ =	swait.ge @p1 [sflag:s5], $0x100  }
0xd2: {  	s9 =	simm.s32 @p1 $0x280;
	[sflag:s5] =	ssyncset.done @p1 $0x0  }
0xd3: {  	s10 =	simm.s32 @p1 $0x500;
	[sflag:s5] =	ssyncadd.s32 @p1 $0xFFFFFF00;
	s5 =	simm.s32 @p1 $0x80  }
0xd4: {  	[spmem:s3] =	stream.indirect.scatter.add.f32 @p1 [tilespmem:s10], [sflag:$0xA], $0x80, s9, s5, $0xb8;
	[tilespmem:$0x1FD80] =	vst v63  }
0xd5: {  	s5 =	simm.s32 @p1 $0xA  }
0xd6: {  	_ =	swait.ge @p1 [sflag:s5], $0x4000  }
0xd7: {  	s9 =	simm.s32 @!p1 $0x7;
	[sflag:s5] =	ssyncset.done @p1 $0x0  }
0xd8: {  	s7 =	rddreg [dreg:$0xa];
	[sflag:s5] =	ssyncadd.s32 @p1 $0xFFFFC000;
	s5 =	simm.s32 @!p1 $0x0  }
0xd9: {  	[tilespmem:s5], [sflag:$0x4] =	stream.linear.gather @!p1 [hbm4b:s7+s5], $0x80, $0x38;
	[tilespmem:$0x1FD80] =	vst v63  }
0xda: {  	_ =	swait.ge @!p1 [sflag:s9], $0x100  }
0xdb: {  	s11 =	simm.s32 @!p1 $0x500;
	[sflag:s9] =	ssyncset.done @!p1 $0x0  }
0xdc: {  	s10 =	simm.s32 @!p1 $0x280;
	[sflag:s9] =	ssyncadd.s32 @!p1 $0xFFFFFF00;
	s9 =	simm.s32 @!p1 $0x80  }
0xdd: {  	[spmem:s3] =	stream.indirect.scatter.add.f32 @!p1 [tilespmem:s11], [sflag:$0xA], $0x80, s10, s9, $0xb8;
	[tilespmem:$0x1FD80] =	vst v63  }
0xde: {  	s10 =	simm.s32 @!p1 $0xA  }
0xdf: {  	_ =	swait.ge @!p1 [sflag:s10], $0x4000  }
0xe0: {  	[sflag:s10] =	ssyncset.done @!p1 $0x0  }
0xe1: {  	[sflag:s10] =	ssyncadd.s32 @!p1 $0xFFFFC000;
	s10 =	simm.s32 @!p1 $0x200  }
0xe2: {  	[tilespmem:s10], [sflag:$0x7] =	stream.linear.gather @!p1 [hbm4b:s7+s5], $0x100, $0x38;
	[tilespmem:$0x1FD80] =	vst v63  }
0xe3: {  	s10 =	simm.s32 @!p1 $0x4  }
0xe4: {  	_ =	swait.ge @!p1 [sflag:s10], $0x80  }
0xe5: {  	[sflag:s10] =	ssyncset.done @!p1 $0x0  }
0xe6: {  	[sflag:s10] =	ssyncadd.s32 @!p1 $0xFFFFFF80  }
0xe7: {  	[tilespmem:s11], [sflag:$0x1] =	stream.indirect.gather @!p1 [hbm4b:s1+s9], $0x80, s5, s9, $0xb8;
	[tilespmem:$0x1FD80] =	vst v63  }
0xe8: {  	_ =	swait.ge [sflag:s13], $0x4000  }
0xe9: {  	[sflag:s13] =	ssyncset.done $0x0  }
0xea: {  	[sflag:s13] =	ssyncadd.s32 $0xFFFFC000  }
0xeb: {  	_ =	swait.ge [sflag:s6], $0x100  }
0xec: {  	[sflag:s6] =	ssyncset.done $0x0  }
0xed: {  	[sflag:s6] =	ssyncadd.s32 $0xFFFFFF00  }
0xee: {  	[spmem:s3] =	stream.indirect.scatter.add.f32 [tilespmem:s30], [sflag:$0xA], $0x80, s8, s22, $0xb8;
	[tilespmem:$0x1FD80] =	vst v63  }
0xef: {  	_ =	swait.ge [sflag:s20], $0x4000  }
0xf0: {  	[sflag:s20] =	ssyncset.done $0x0  }
0xf1: {  	[sflag:s20] =	ssyncadd.s32 $0xFFFFC000  }
0xf2: {  	_ =	swait.ge [sflag:s14], $0x4000  }
0xf3: {  	[sflag:s14] =	ssyncset.done $0x0  }
0xf4: {  	[sflag:s14] =	ssyncadd.s32 $0xFFFFC000  }
0xf5: {  	_ =	swait.ge [sflag:s15], $0x100  }
0xf6: {  	[sflag:s15] =	ssyncset.done $0x0  }
.Ltmp4:
0xf7: {  	[sflag:s15] =	ssyncadd.s32 $0xFFFFFF00;
	(pc) =	sbr.rel @p1 .LBB2_7-.Ltmp4, $4  }
0xf8: {  	[spmem:s3] =	stream.indirect.scatter.add.f32 [tilespmem:s2], [sflag:$0xA], $0x80, s16, s22, $0xb8;
	[tilespmem:$0x1FD80] =	vst v63  }
0xf9: {  	_ =	swait.ge [sflag:s20], $0x4000  }
0xfa: {  	[sflag:s20] =	ssyncset.done $0x0  }
0xfb: {  	[sflag:s20] =	ssyncadd.s32 $0xFFFFC000  }
0xfc: {  	_ =	swait.ge [sflag:s12], $0x4000  }
0xfd: {  	[sflag:s12] =	ssyncset.done $0x0  }
0xfe: {  	[sflag:s12] =	ssyncadd.s32 $0xFFFFC000  }
0xff: {  	_ =	swait.ge [sflag:s25], $0x100  }
0x100: {  	[sflag:s25] =	ssyncset.done $0x0  }
0x101: {  	[sflag:s25] =	ssyncadd.s32 $0xFFFFFF00  }
0x102: {  	[spmem:s3] =	stream.indirect.scatter.add.f32 [tilespmem:s19], [sflag:$0xA], $0x80, s0, s22, $0xb8;
	[tilespmem:$0x1FD80] =	vst v63  }
.Ltmp5:
0x103: {  	_ =	swait.ge [sflag:s20], $0x4000;
	(pc) =	sbr.rel .LBB2_8-.Ltmp5, $3  }
0x104: {  	[sflag:s20] =	ssyncset.done $0x0  }
0x105: {  	[sflag:s20] =	ssyncadd.s32 $0xFFFFC000  }
0x106: {  	[bflag:$0x0] =	sbarrier.arrive $0xFFFF;
	_ =	sdelay $0x1  }
.LBB2_7:
.Ltmp6:
0x107: {  	(pc) =	sbr.rel @p0 .LBB2_9-.Ltmp6, $2  }
0x108: {  	_ =	sdelay $0x1  }
0x109: {  	[bflag:$0x0] =	sbarrier.arrive $0xFFFF;
	_ =	sdelay $0x1  }
.LBB2_8:
0x10a: {  	s5 =	stileid.u32;
	s9 =	rddreg [dreg:$0x5]  }
0x10b: {  	s7 =	rddreg [dreg:$0xd];
	s5 =	sshll.u32 s5, $0x6  }
.Ltmp7:
0x10c: {  	s9 =	sshrl.u32 s9, $0x3;
	s5 =	sor.u32 $0x1C0A, s5;
	(pc) =	sbr.rel .LBB2_10-.Ltmp7, $4  }
0x10d: {  	[hbm:s7], [sflag:s5] =	dma.local [spmem:s9], $0x2700  }
0x10e: {  	_ =	swait.ge [sflag:s20], $0x2700  }
0x10f: {  	[sflag:s20] =	ssyncset.done $0x0  }
0x110: {  	[sflag:s20] =	ssyncadd.s32 $0xFFFFD900  }
.LBB2_11:
0x111: {  	_ =	sfence.sel $0x180000  }
0x112: {  	[bflag:$0x0] =	sbarrier.arrive $0xFFFF  }
0x113: {  	_ =	strace $0x90000047  }
0x114: {  	s0 =	stileid.u32;
	[bflag:$0x2] =	sbarrier.arrive $0xFFFF  }
0x115: {  	p0 =	sne.s32 s0, $0x0;
	s0 =	rddreg [dreg:$0x4]  }
0x116: {  	s0 =	sadd.s32 @!p0 $0x100000, s0  }
0x117: {  	[sflag:s0] =	ssyncadd.tile.s32 @!p0 $0x1;
	_ =	shalt  }
.Lfunc_end2:
_tile_overlayer_lowered:
.L_overlay_start_2:
0x118: {  	(tag) =	ssettag $0x2  }
0x119: {  	s0 =	rddreg [dreg:$0x0];
	s2 =	stileid.u32  }
0x11a: {  	s1 =	rddreg [dreg:$0x1];
	p0 =	sne.s32 s2, $0x0  }
0x11b: {  	s3 =	rddreg [dreg:$0x2];
	[bflag:$0x3] =	sbarrier.arrive $0xFFFF;
	s2 =	simm.s32 @!p0 $0x1C0A  }
0x11c: {  	[timem:s3], [sflag:s2] =	dma.local @!p0 [hbm:s0], s1  }
0x11d: {  	s0 =	simm.s32 @!p0 $0xA  }
0x11e: {  	_ =	swait.ge @!p0 [sflag:s0], s1  }
0x11f: {  	s1 =	ssub.s32 @!p0 $0x0, s1;
	[sflag:s0] =	ssyncset.done @!p0 $0x0  }
0x120: {  	[sflag:s0] =	ssyncadd.s32 @!p0 s1  }
0x121: {  	[bflag:$0x3] =	sbarrier.arrive $0xFFFF  }
0x122: {  	_ =	shalt  }

</sc_bundles>
